<compile_context>
chip_gen: v7x
topology: tpu7x:2x2x1
jax: 0.10.2.dev20260603
libtpu: 0.0.44.dev20260713+nightly
codegen_flags: <defaults>
</compile_context>

<pallas_src>
import functools

import jax
import jax.numpy as jnp
from jax import lax
from jax.experimental import pallas as pl
from jax.experimental.pallas import tpu as pltpu
from jax.experimental.pallas import tpu_sc as plsc

_N = 10000
_E = 160000
_D_IN = 256
_D_H = 256
_N_CLS = 128

_NT = 16
_NC = 2
_CHUNK = 128
_NBUF = 2
_EPT = _E // _NT
_EPT_PAD = 10240
_CH = _EPT_PAD // _CHUNK
_CHD = _EPT_PAD // _CHUNK
_EPT2 = _E // (_NC * _NT)
_EPT2_PAD = 5120
_CH2 = _EPT2_PAD // _CHUNK
_N_PAD = 10240
_RPT = _N_PAD // _NT
_RB = _RPT // _CHUNK

_BLK = 1000

_mesh = plsc.VectorSubcoreMesh(core_axis_name="c", subcore_axis_name="s")


def _make_agg(ch, nh):
  ch_h = ch // nh
  assert ch_h % _NBUF == 0

  @functools.partial(
      pl.kernel,
      out_type=jax.ShapeDtypeStruct((_NC, _N_PAD, 128), jnp.float32),
      mesh=_mesh,
      scratch_types=(
          [pltpu.VMEM((ch_h, _CHUNK), jnp.int32),
           pltpu.VMEM((ch_h, _CHUNK), jnp.int32)]
          + [pltpu.VMEM((_CHUNK, 128), jnp.float32)] * _NBUF
          + [pltpu.SemaphoreType.DMA] * (2 * _NBUF)
          + [pltpu.VMEM_SHARED((_N_PAD, 128), jnp.float32)]
      ),
  )
  def agg(z_hbm, gsrc_hbm, dst_hbm, out_hbm, src_v, dst_v, *rest):
    gbufs = rest[:_NBUF]
    gsems = rest[_NBUF:2 * _NBUF]
    ssems = rest[2 * _NBUF:3 * _NBUF]
    acc = rest[3 * _NBUF]
    c = lax.axis_index("c")
    s = lax.axis_index("s")
    base = s * _RPT

    @pl.loop(0, _CHUNK)
    def _(r):
      @pl.loop(0, 8)
      def _(k):
        gbufs[0][r, pl.ds(k * 16, 16)] = jnp.zeros((16,), jnp.float32)

    @pl.loop(0, _RB)
    def _(b):
      pltpu.sync_copy(gbufs[0], acc.at[pl.ds(base + b * _CHUNK, _CHUNK)])

    plsc.subcore_barrier()

    for h in range(nh):
      pltpu.sync_copy(gsrc_hbm.at[c, s, pl.ds(h * ch_h, ch_h)], src_v)
      pltpu.sync_copy(dst_hbm.at[c, s, pl.ds(h * ch_h, ch_h)], dst_v)

      for b in range(_NBUF):
        pltpu.async_copy(z_hbm.at[src_v.at[b]], gbufs[b], gsems[b])

      @pl.loop(0, ch_h // _NBUF)
      def _(j0):
        for b in range(_NBUF):
          j = j0 * _NBUF + b
          pltpu.make_async_copy(z_hbm.at[src_v.at[j]], gbufs[b],
                                gsems[b]).wait()
          pltpu.async_copy(gbufs[b], acc.at[dst_v.at[j]], ssems[b], add=True)
          nxt = j + _NBUF

          @pl.when(nxt < ch_h)
          def _():
            pltpu.make_async_copy(gbufs[b], acc.at[dst_v.at[j]],
                                  ssems[b]).wait()
            pltpu.async_copy(z_hbm.at[src_v.at[nxt]], gbufs[b], gsems[b])

      for b in range(_NBUF):
        j = ch_h - _NBUF + b
        pltpu.make_async_copy(gbufs[b], acc.at[dst_v.at[j]], ssems[b]).wait()

    plsc.subcore_barrier()
    pltpu.sync_copy(acc.at[pl.ds(base, _RPT)],
                    out_hbm.at[c, pl.ds(base, _RPT)])

  return agg


@functools.partial(
    pl.kernel,
    out_type=jax.ShapeDtypeStruct((_NC, _N_PAD, 128), jnp.float32),
    mesh=_mesh,
    scratch_types=[
        pltpu.VMEM((_CHD, _CHUNK), jnp.int32),
        pltpu.VMEM((_CHUNK, 128), jnp.float32),
        pltpu.SemaphoreType.DMA,
        pltpu.VMEM_SHARED((_N_PAD, 128), jnp.float32),
    ],
)
def _deg_kernel(idx_hbm, out_hbm, idx_v, buf, dsem, acc):
  c = lax.axis_index("c")
  s = lax.axis_index("s")
  base = s * _RPT

  @pl.loop(0, _CHUNK)
  def _(r):
    @pl.loop(0, 8)
    def _(k):
      buf[r, pl.ds(k * 16, 16)] = jnp.zeros((16,), jnp.float32)

  @pl.loop(0, _RB)
  def _(b):
    pltpu.sync_copy(buf, acc.at[pl.ds(base + b * _CHUNK, _CHUNK)])

  plsc.subcore_barrier()

  @pl.loop(0, _CHUNK)
  def _(r):
    @pl.loop(0, 8)
    def _(k):
      buf[r, pl.ds(k * 16, 16)] = jnp.ones((16,), jnp.float32)

  pltpu.sync_copy(idx_hbm.at[c, s], idx_v)

  @pl.loop(0, _CHD)
  def _(j):
    pltpu.async_copy(buf, acc.at[idx_v.at[j]], dsem, add=True)

  @pl.loop(0, _CHD)
  def _(j):
    pltpu.make_async_copy(buf, acc.at[idx_v.at[j]], dsem).wait()

  plsc.subcore_barrier()
  pltpu.sync_copy(acc.at[pl.ds(base, _RPT)],
                  out_hbm.at[c, pl.ds(base, _RPT)])


def _tc_mm1(features, W1):
  def body(x_ref, w_ref, out_ref):
    z = jnp.dot(x_ref[...], w_ref[...], preferred_element_type=jnp.float32)
    out_ref[0] = z[:, :128]
    out_ref[1] = z[:, 128:]

  return pl.pallas_call(
      body,
      grid=(_N // _BLK,),
      in_specs=[
          pl.BlockSpec((_BLK, _D_IN), lambda i: (i, 0)),
          pl.BlockSpec((_D_IN, _D_H), lambda i: (0, 0)),
      ],
      out_specs=pl.BlockSpec((2, _BLK, 128), lambda i: (0, i, 0)),
      out_shape=jax.ShapeDtypeStruct((2, _N, 128), jnp.float32),
  )(features, W1)


def _tc_scale1(zt, degs):
  def body(z_ref, deg_ref, out_ref):
    onorm = lax.rsqrt(jnp.maximum(deg_ref[0, :, 0:1], 1.0))
    out_ref[0] = z_ref[0] * onorm
    out_ref[1] = z_ref[1] * onorm

  return pl.pallas_call(
      body,
      grid=(_N // _BLK,),
      in_specs=[
          pl.BlockSpec((2, _BLK, 128), lambda i: (0, i, 0)),
          pl.BlockSpec((1, _BLK, 128), lambda i: (0, i, 0)),
      ],
      out_specs=pl.BlockSpec((2, _BLK, 128), lambda i: (0, i, 0)),
      out_shape=jax.ShapeDtypeStruct((2, _N, 128), jnp.float32),
  )(zt, degs)


def _tc_layer2(agg1, degs, b1, W2):
  def body(agg_ref, deg_ref, b1_ref, w_ref, out_ref):
    inorm = lax.rsqrt(jnp.maximum(deg_ref[1, :, 0:1], 1.0))
    onorm = lax.rsqrt(jnp.maximum(deg_ref[0, :, 0:1], 1.0))
    h = jnp.concatenate([agg_ref[0], agg_ref[1]], axis=1)
    h = h * inorm + b1_ref[...][None, :]
    h = jnp.maximum(h, 0.0)
    z = jnp.dot(h, w_ref[...], preferred_element_type=jnp.float32)
    z = z * onorm
    out_ref[...] = z

  return pl.pallas_call(
      body,
      grid=(_N // _BLK,),
      in_specs=[
          pl.BlockSpec((2, _BLK, 128), lambda i: (0, i, 0)),
          pl.BlockSpec((2, _BLK, 128), lambda i: (0, i, 0)),
          pl.BlockSpec((_D_H,), lambda i: (0,)),
          pl.BlockSpec((_D_H, _N_CLS), lambda i: (0, 0)),
      ],
      out_specs=pl.BlockSpec((_BLK, _N_CLS), lambda i: (i, 0)),
      out_shape=jax.ShapeDtypeStruct((_N, _N_CLS), jnp.float32),
  )(agg1, degs, b1, W2)


def _tc_finish(agg2, degs, b2):
  def body(agg_ref, deg_ref, b2_ref, out_ref):
    inorm = lax.rsqrt(jnp.maximum(deg_ref[1, :, 0:1], 1.0))
    h = agg_ref[0] + agg_ref[1]
    out_ref[...] = h * inorm + b2_ref[...][None, :]

  return pl.pallas_call(
      body,
      grid=(_N // _BLK,),
      in_specs=[
          pl.BlockSpec((2, _BLK, 128), lambda i: (0, i, 0)),
          pl.BlockSpec((2, _BLK, 128), lambda i: (0, i, 0)),
          pl.BlockSpec((_N_CLS,), lambda i: (0,)),
      ],
      out_specs=pl.BlockSpec((_BLK, _N_CLS), lambda i: (i, 0)),
      out_shape=jax.ShapeDtypeStruct((_N, _N_CLS), jnp.float32),
  )(agg2, degs, b2)


_agg_l1 = _make_agg(_CH, 2)
_agg_l2 = _make_agg(_CH2, 1)


def _pad_idx(idx_t, pad_vals, chunk):
  lead = idx_t.shape[:-1]
  padded = jnp.concatenate(
      [idx_t, jnp.broadcast_to(pad_vals, lead + (pad_vals.shape[-1],))],
      axis=-1)
  return padded.reshape(lead + (-1, chunk))


def kernel(features, edge_index, W1, b1, W2, b2):
  n = features.shape[0]
  src = edge_index[0].astype(jnp.int32)
  dst = edge_index[1].astype(jnp.int32)

  pad1 = _EPT_PAD - _EPT
  pad2 = _EPT2_PAD - _EPT2
  pmax = max(pad1, pad2)
  junk = _N + (jnp.arange(pmax, dtype=jnp.int32) % (_N_PAD - _N))
  valid = (jnp.arange(pmax, dtype=jnp.int32) * 37) % _N
  junk1, junk2 = junk[:pad1], junk[:pad2]
  valid1, valid2 = valid[:pad1], valid[:pad2]

  src_1 = _pad_idx(src.reshape(_NT, _EPT), valid1, _CHUNK)
  dst_1 = _pad_idx(dst.reshape(_NT, _EPT), junk1, _CHUNK)
  gsrc1 = jnp.stack([src_1, src_1 + n])
  dst1 = jnp.stack([dst_1, dst_1])

  src_2 = _pad_idx(src.reshape(_NC, _NT, _EPT2), valid2, _CHUNK)
  dst2 = _pad_idx(dst.reshape(_NC, _NT, _EPT2), junk2, _CHUNK)

  deg_idx = jnp.stack([
      _pad_idx(src.reshape(_NT, _EPT), junk1, _CHUNK),
      _pad_idx(dst.reshape(_NT, _EPT), junk1, _CHUNK),
  ])

  degs = _deg_kernel(deg_idx)
  zt = _tc_mm1(features, W1)
  z1 = _tc_scale1(zt, degs)
  agg1 = _agg_l1(z1.reshape(2 * n, 128), gsrc1, dst1)
  z2 = _tc_layer2(agg1, degs, b1, W2)
  agg2 = _agg_l2(z2, src_2, dst2)
  out = _tc_finish(agg2, degs, b2)
  return out

# --- scband reference (transcript-rebuilt; emitter-appended) ---
"""Pipeline reference for scband-gcn-23416161697970 (READ-ONLY COPY).

The authoritative reference and input builder live on the scoring server;
editing this copy changes nothing except your own understanding.
"""

import jax, jax.numpy as jnp
import numpy as np

N = 10000
E = 160000
D_IN = 256
D_H = 256
N_CLS = 128


def setup_inputs(seed: int = 0):
    key = jax.random.key(seed)
    k1, k2, k3, k4 = jax.random.split(key, 4)
    features = jax.random.normal(k1, (N, D_IN), dtype=jnp.float32)
    edge_index = jax.random.randint(k2, (2, E), 0, N, dtype=jnp.int32)
    # GraphConv weights (glorot-ish scaling), biases zero-init as in DGL
    W1 = jax.random.normal(k3, (D_IN, D_H), dtype=jnp.float32) * (1.0 / np.sqrt(D_IN))
    b1 = jnp.zeros((D_H,), dtype=jnp.float32)
    W2 = jax.random.normal(k4, (D_H, N_CLS), dtype=jnp.float32) * (1.0 / np.sqrt(D_H))
    b2 = jnp.zeros((N_CLS,), dtype=jnp.float32)
    return {"features": features, "edge_index": edge_index, "W1": W1, "b1": b1, "W2": W2, "b2": b2}


def _graph_conv(h, src, dst, W, b, out_norm, in_norm, activation):
    # DGL GraphConv with norm='both': D_out^{-1/2} applied to src feats,
    # sum aggregation over edges, D_in^{-1/2} applied after, then + bias.
    h = h @ W
    h = h * out_norm[:, None]
    msg = jnp.take(h, src, axis=0)
    agg = jax.ops.segment_sum(msg, dst, num_segments=N)
    agg = agg * in_norm[:, None]
    agg = agg + b
    if activation:
        agg = jax.nn.relu(agg)
    return agg


def reference(features, edge_index, W1, b1, W2, b2):
    src = edge_index[0]
    dst = edge_index[1]
    ones = jnp.ones((E,), dtype=jnp.float32)
    deg_out = jax.ops.segment_sum(ones, src, num_segments=N)
    deg_in = jax.ops.segment_sum(ones, dst, num_segments=N)
    out_norm = jax.lax.rsqrt(jnp.clip(deg_out, 1.0, None))
    in_norm = jax.lax.rsqrt(jnp.clip(deg_in, 1.0, None))
    # layer 1 (relu); dropout is identity in eval mode
    h = _graph_conv(features, src, dst, W1, b1, out_norm, in_norm, True)
    # layer 2 (no activation)
    h = _graph_conv(h, src, dst, W2, b2, out_norm, in_norm, False)
    return h

if __name__ == "__main__":
    import jax
    _d = setup_inputs()
    print(jax.jit(kernel)(*tuple(_d.values())))

</pallas_src>

<mosaic_0001>
#map = affine_map<(d0, d1) -> (0, 0, 0, 0)>
#map1 = affine_map<(d0, d1) -> (0, 0, 0)>
module attributes {stable_mosaic.version = 14 : i64} {
  func.func @_deg_kernel(%arg0: i32, %arg1: i32, %arg2: memref<2x16x80x128xi32, #tpu.memory_space<hbm>>, %arg3: memref<2x10240x128xf32, #tpu.memory_space<hbm>>, %arg4: memref<80x128xi32, #tpu.memory_space<vmem>>, %arg5: memref<128x128xf32, #tpu.memory_space<vmem>>, %arg6: memref<!tpu.dma_semaphore, #tpu.memory_space<semaphore_mem>>, %arg7: memref<10240x128xf32, #tpu.memory_space<vmem_shared>>) attributes {dimension_semantics = [#tpu.dimension_semantics<core_parallel>, #tpu.dimension_semantics<subcore_parallel>], iteration_bounds = array<i64: 2, 16>, scalar_prefetch = 0 : i64, scratch_operands = 4 : i64, tpu.core_type = #tpu.core_type<sc_vector_subcore>, window_params = [{transform_indices = #map}, {transform_indices = #map1}]} {
    %mul3A = arith.constant 640 : i32
    %mul3A_0 = arith.muli %arg1, %mul3A : i32
    %scan3A = arith.constant 0 : i32
    %scan3A_1 = arith.constant 128 : i32
    %scan3A_2 = arith.addi %scan3A, %scan3A_1 : i32
    %scan3A_3 = arith.constant 1 : i32
    scf.for %scan3A_26 = %scan3A to %scan3A_2 step %scan3A_3  : i32 {
      %mul3A_27 = arith.constant 1 : i32
      %mul3A_28 = arith.muli %scan3A_26, %mul3A_27 : i32
      %add3A = arith.constant 0 : i32
      %add3A_29 = arith.addi %add3A, %mul3A_28 : i32
      %scan3A_30 = arith.constant 0 : i32
      %scan3A_31 = arith.constant 8 : i32
      %scan3A_32 = arith.addi %scan3A_30, %scan3A_31 : i32
      %scan3A_33 = arith.constant 1 : i32
      scf.for %scan3A_35 = %scan3A_30 to %scan3A_32 step %scan3A_33  : i32 {
        %mul3A_36 = arith.constant 1 : i32
        %mul3A_37 = arith.muli %scan3A_35, %mul3A_36 : i32
        %add3A_38 = arith.constant 0 : i32
        %add3A_39 = arith.addi %add3A_38, %mul3A_37 : i32
        %broadcast_in_dim3A = arith.constant 0.000000e+00 : f32
        %broadcast_in_dim3A_40 = vector.broadcast %broadcast_in_dim3A : f32 to vector<16xf32>
        %mul3A_41 = arith.constant 16 : i32
        %mul3A_42 = arith.muli %add3A_39, %mul3A_41 : i32
        %swap3A = arith.index_cast %add3A_29 : i32 to index
        %swap3A_43 = arith.index_cast %mul3A_42 : i32 to index
        %swap3A_44 = tpu.vector_load %arg5[%swap3A, %swap3A_43] {strides = array<i32>} : memref<128x128xf32, #tpu.memory_space<vmem>>, vector<1x16xf32>,
        %swap3A_45 = vector.shape_cast %swap3A_44 : vector<1x16xf32> to vector<16xf32>
        %swap3A_46 = vector.shape_cast %broadcast_in_dim3A_40 : vector<16xf32> to vector<1x16xf32>
        tpu.vector_store %arg5[%swap3A, %swap3A_43], %swap3A_46 {strides = array<i32>} : memref<128x128xf32, #tpu.memory_space<vmem>>, vector<1x16xf32>,
      }
      %scan3A_34 = arith.constant 8 : i32
    }
    %scan3A_4 = arith.constant 128 : i32
    %scan3A_5 = arith.constant 0 : i32
    %scan3A_6 = arith.constant 5 : i32
    %scan3A_7 = arith.addi %scan3A_5, %scan3A_6 : i32
    %scan3A_8 = arith.constant 1 : i32
    scf.for %scan3A_26 = %scan3A_5 to %scan3A_7 step %scan3A_8  : i32 {
      %mul3A_27 = arith.constant 1 : i32
      %mul3A_28 = arith.muli %scan3A_26, %mul3A_27 : i32
      %add3A = arith.constant 0 : i32
      %add3A_29 = arith.addi %add3A, %mul3A_28 : i32
      %mul3A_30 = arith.constant 128 : i32
      %mul3A_31 = arith.muli %add3A_29, %mul3A_30 : i32
      %add3A_32 = arith.addi %mul3A_0, %mul3A_31 : i32
      "tpu.region"() ({
        %run_scoped3A = tpu.sem_alloc : memref<!tpu.dma_semaphore, #tpu.memory_space<semaphore_mem>>
        %dma_start3A = arith.constant 0 : i32
        %dma_start3A_33 = tpu.memref_slice %arg7[%add3A_32, %dma_start3A] : memref<10240x128xf32, #tpu.memory_space<vmem_shared>> -> memref<128x128xf32, #tpu.memory_space<vmem_shared>>
        %dma_start3A_34 = arith.constant 0 : i32
        %dma_start3A_35 = tpu.memref_slice %arg7[%add3A_32, %dma_start3A_34] : memref<10240x128xf32, #tpu.memory_space<vmem_shared>> -> memref<128x128xf32, #tpu.memory_space<vmem_shared>>
        tpu.enqueue_dma source(%arg5 : memref<128x128xf32, #tpu.memory_space<vmem>>) target(%dma_start3A_35 : memref<128x128xf32, #tpu.memory_space<vmem_shared>>) target_semaphore(%run_scoped3A : memref<!tpu.dma_semaphore, #tpu.memory_space<semaphore_mem>>)
        %dma_wait3A = arith.constant 0 : i32
        %dma_wait3A_36 = tpu.memref_slice %arg7[%add3A_32, %dma_wait3A] : memref<10240x128xf32, #tpu.memory_space<vmem_shared>> -> memref<128x128xf32, #tpu.memory_space<vmem_shared>>
        %dma_wait3A_37 = arith.constant 0 : i32
        %dma_wait3A_38 = tpu.memref_slice %arg7[%add3A_32, %dma_wait3A_37] : memref<10240x128xf32, #tpu.memory_space<vmem_shared>> -> memref<128x128xf32, #tpu.memory_space<vmem_shared>>
        tpu.wait_dma2 semaphore(%run_scoped3A : memref<!tpu.dma_semaphore, #tpu.memory_space<semaphore_mem>>) src(%arg5 : memref<128x128xf32, #tpu.memory_space<vmem>>) dst(%dma_wait3A_38 : memref<128x128xf32, #tpu.memory_space<vmem_shared>>)
        tpu.yield
      }) : () -> ()
    }
    %scan3A_9 = arith.constant 5 : i32
    %barrier3A = arith.constant 0 : index
    tpu.barrier barrier_id(%barrier3A)
    %scan3A_10 = arith.constant 0 : i32
    %scan3A_11 = arith.constant 128 : i32
    %scan3A_12 = arith.addi %scan3A_10, %scan3A_11 : i32
    %scan3A_13 = arith.constant 1 : i32
    scf.for %scan3A_26 = %scan3A_10 to %scan3A_12 step %scan3A_13  : i32 {
      %mul3A_27 = arith.constant 1 : i32
      %mul3A_28 = arith.muli %scan3A_26, %mul3A_27 : i32
      %add3A = arith.constant 0 : i32
      %add3A_29 = arith.addi %add3A, %mul3A_28 : i32
      %scan3A_30 = arith.constant 0 : i32
      %scan3A_31 = arith.constant 8 : i32
      %scan3A_32 = arith.addi %scan3A_30, %scan3A_31 : i32
      %scan3A_33 = arith.constant 1 : i32
      scf.for %scan3A_35 = %scan3A_30 to %scan3A_32 step %scan3A_33  : i32 {
        %mul3A_36 = arith.constant 1 : i32
        %mul3A_37 = arith.muli %scan3A_35, %mul3A_36 : i32
        %add3A_38 = arith.constant 0 : i32
        %add3A_39 = arith.addi %add3A_38, %mul3A_37 : i32
        %broadcast_in_dim3A = arith.constant 1.000000e+00 : f32
        %broadcast_in_dim3A_40 = vector.broadcast %broadcast_in_dim3A : f32 to vector<16xf32>
        %mul3A_41 = arith.constant 16 : i32
        %mul3A_42 = arith.muli %add3A_39, %mul3A_41 : i32
        %swap3A = arith.index_cast %add3A_29 : i32 to index
        %swap3A_43 = arith.index_cast %mul3A_42 : i32 to index
        %swap3A_44 = tpu.vector_load %arg5[%swap3A, %swap3A_43] {strides = array<i32>} : memref<128x128xf32, #tpu.memory_space<vmem>>, vector<1x16xf32>,
        %swap3A_45 = vector.shape_cast %swap3A_44 : vector<1x16xf32> to vector<16xf32>
        %swap3A_46 = vector.shape_cast %broadcast_in_dim3A_40 : vector<16xf32> to vector<1x16xf32>
        tpu.vector_store %arg5[%swap3A, %swap3A_43], %swap3A_46 {strides = array<i32>} : memref<128x128xf32, #tpu.memory_space<vmem>>, vector<1x16xf32>,
      }
      %scan3A_34 = arith.constant 8 : i32
    }
    %scan3A_14 = arith.constant 128 : i32
    "tpu.region"() ({
      %run_scoped3A = tpu.sem_alloc : memref<!tpu.dma_semaphore, #tpu.memory_space<semaphore_mem>>
      %dma_start3A = arith.constant 0 : i32
      %dma_start3A_26 = arith.constant 0 : i32
      %dma_start3A_27 = tpu.memref_slice %arg2[%arg0, %arg1, %dma_start3A, %dma_start3A_26] : memref<2x16x80x128xi32, #tpu.memory_space<hbm>> -> memref<1x1x80x128xi32, #tpu.memory_space<hbm>>
      %dma_start3A_28 = tpu.memref_squeeze %dma_start3A_27 : memref<1x1x80x128xi32, #tpu.memory_space<hbm>> -> memref<80x128xi32, #tpu.memory_space<hbm>>
      %dma_start3A_29 = arith.constant 0 : i32
      %dma_start3A_30 = arith.constant 0 : i32
      %dma_start3A_31 = tpu.memref_slice %arg2[%arg0, %arg1, %dma_start3A_29, %dma_start3A_30] : memref<2x16x80x128xi32, #tpu.memory_space<hbm>> -> memref<1x1x80x128xi32, #tpu.memory_space<hbm>>
      %dma_start3A_32 = tpu.memref_squeeze %dma_start3A_31 : memref<1x1x80x128xi32, #tpu.memory_space<hbm>> -> memref<80x128xi32, #tpu.memory_space<hbm>>
      tpu.enqueue_dma source(%dma_start3A_32 : memref<80x128xi32, #tpu.memory_space<hbm>>) target(%arg4 : memref<80x128xi32, #tpu.memory_space<vmem>>) target_semaphore(%run_scoped3A : memref<!tpu.dma_semaphore, #tpu.memory_space<semaphore_mem>>)
      %dma_wait3A = arith.constant 0 : i32
      %dma_wait3A_33 = arith.constant 0 : i32
      %dma_wait3A_34 = tpu.memref_slice %arg2[%arg0, %arg1, %dma_wait3A, %dma_wait3A_33] : memref<2x16x80x128xi32, #tpu.memory_space<hbm>> -> memref<1x1x80x128xi32, #tpu.memory_space<hbm>>
      %dma_wait3A_35 = tpu.memref_squeeze %dma_wait3A_34 : memref<1x1x80x128xi32, #tpu.memory_space<hbm>> -> memref<80x128xi32, #tpu.memory_space<hbm>>
      %dma_wait3A_36 = arith.constant 0 : i32
      %dma_wait3A_37 = arith.constant 0 : i32
      %dma_wait3A_38 = tpu.memref_slice %arg2[%arg0, %arg1, %dma_wait3A_36, %dma_wait3A_37] : memref<2x16x80x128xi32, #tpu.memory_space<hbm>> -> memref<1x1x80x128xi32, #tpu.memory_space<hbm>>
      %dma_wait3A_39 = tpu.memref_squeeze %dma_wait3A_38 : memref<1x1x80x128xi32, #tpu.memory_space<hbm>> -> memref<80x128xi32, #tpu.memory_space<hbm>>
      tpu.wait_dma2 semaphore(%run_scoped3A : memref<!tpu.dma_semaphore, #tpu.memory_space<semaphore_mem>>) src(%dma_wait3A_39 : memref<80x128xi32, #tpu.memory_space<hbm>>) dst(%arg4 : memref<80x128xi32, #tpu.memory_space<vmem>>)
      tpu.yield
    }) : () -> ()
    %scan3A_15 = arith.constant 0 : i32
    %scan3A_16 = arith.constant 80 : i32
    %scan3A_17 = arith.addi %scan3A_15, %scan3A_16 : i32
    %scan3A_18 = arith.constant 1 : i32
    scf.for %scan3A_26 = %scan3A_15 to %scan3A_17 step %scan3A_18  : i32 {
      %mul3A_27 = arith.constant 1 : i32
      %mul3A_28 = arith.muli %scan3A_26, %mul3A_27 : i32
      %add3A = arith.constant 0 : i32
      %add3A_29 = arith.addi %add3A, %mul3A_28 : i32
      %dma_start3A = arith.constant 0 : i32
      %dma_start3A_30 = tpu.memref_slice %arg4[%add3A_29, %dma_start3A] : memref<80x128xi32, #tpu.memory_space<vmem>> -> memref<1x128xi32, #tpu.memory_space<vmem>>
      %dma_start3A_31 = tpu.memref_squeeze %dma_start3A_30 : memref<1x128xi32, #tpu.memory_space<vmem>> -> memref<128xi32, #tpu.memory_space<vmem>>
      %dma_start3A_32 = arith.constant 0 : i32
      %dma_start3A_33 = arith.constant 0 : i32
      %dma_start3A_34 = tpu.memref_slice %arg7[%dma_start3A_32, %dma_start3A_33] : memref<10240x128xf32, #tpu.memory_space<vmem_shared>> -> memref<10240x128xf32, #tpu.memory_space<vmem_shared>>
      tpu.enqueue_indirect_dma source(%arg5 : memref<128x128xf32, #tpu.memory_space<vmem>>) target(%dma_start3A_34 : memref<10240x128xf32, #tpu.memory_space<vmem_shared>>) offsets(%dma_start3A_31 : memref<128xi32, #tpu.memory_space<vmem>>) semaphore(%arg6 : memref<!tpu.dma_semaphore, #tpu.memory_space<semaphore_mem>>) {add = true}
    }
    %scan3A_19 = arith.constant 80 : i32
    %scan3A_20 = arith.constant 0 : i32
    %scan3A_21 = arith.constant 80 : i32
    %scan3A_22 = arith.addi %scan3A_20, %scan3A_21 : i32
    %scan3A_23 = arith.constant 1 : i32
    scf.for %scan3A_26 = %scan3A_20 to %scan3A_22 step %scan3A_23  : i32 {
      %mul3A_27 = arith.constant 1 : i32
      %mul3A_28 = arith.muli %scan3A_26, %mul3A_27 : i32
      %add3A = arith.constant 0 : i32
      %add3A_29 = arith.addi %add3A, %mul3A_28 : i32
      %dma_wait3A = arith.constant 0 : i32
      %dma_wait3A_30 = tpu.memref_slice %arg4[%add3A_29, %dma_wait3A] : memref<80x128xi32, #tpu.memory_space<vmem>> -> memref<1x128xi32, #tpu.memory_space<vmem>>
      %dma_wait3A_31 = tpu.memref_squeeze %dma_wait3A_30 : memref<1x128xi32, #tpu.memory_space<vmem>> -> memref<128xi32, #tpu.memory_space<vmem>>
      %dma_wait3A_32 = arith.constant 0 : i32
      %dma_wait3A_33 = arith.constant 0 : i32
      %dma_wait3A_34 = tpu.memref_slice %arg7[%dma_wait3A_32, %dma_wait3A_33] : memref<10240x128xf32, #tpu.memory_space<vmem_shared>> -> memref<10240x128xf32, #tpu.memory_space<vmem_shared>>
      tpu.wait_indirect_dma semaphore(%arg6 : memref<!tpu.dma_semaphore, #tpu.memory_space<semaphore_mem>>) src(%arg5 : memref<128x128xf32, #tpu.memory_space<vmem>>) dst(%dma_wait3A_34 : memref<10240x128xf32, #tpu.memory_space<vmem_shared>>)
    }
    %scan3A_24 = arith.constant 80 : i32
    %barrier3A_25 = arith.constant 0 : index
    tpu.barrier barrier_id(%barrier3A_25)
    "tpu.region"() ({
      %run_scoped3A = tpu.sem_alloc : memref<!tpu.dma_semaphore, #tpu.memory_space<semaphore_mem>>
      %dma_start3A = arith.constant 0 : i32
      %dma_start3A_26 = tpu.memref_slice %arg3[%arg0, %mul3A_0, %dma_start3A] : memref<2x10240x128xf32, #tpu.memory_space<hbm>> -> memref<1x640x128xf32, #tpu.memory_space<hbm>>
      %dma_start3A_27 = tpu.memref_squeeze %dma_start3A_26 : memref<1x640x128xf32, #tpu.memory_space<hbm>> -> memref<640x128xf32, #tpu.memory_space<hbm>>
      %dma_start3A_28 = arith.constant 0 : i32
      %dma_start3A_29 = tpu.memref_slice %arg7[%mul3A_0, %dma_start3A_28] : memref<10240x128xf32, #tpu.memory_space<vmem_shared>> -> memref<640x128xf32, #tpu.memory_space<vmem_shared>>
      tpu.enqueue_dma source(%dma_start3A_29 : memref<640x128xf32, #tpu.memory_space<vmem_shared>>) target(%dma_start3A_27 : memref<640x128xf32, #tpu.memory_space<hbm>>) target_semaphore(%run_scoped3A : memref<!tpu.dma_semaphore, #tpu.memory_space<semaphore_mem>>)
      %dma_wait3A = arith.constant 0 : i32
      %dma_wait3A_30 = tpu.memref_slice %arg3[%arg0, %mul3A_0, %dma_wait3A] : memref<2x10240x128xf32, #tpu.memory_space<hbm>> -> memref<1x640x128xf32, #tpu.memory_space<hbm>>
      %dma_wait3A_31 = tpu.memref_squeeze %dma_wait3A_30 : memref<1x640x128xf32, #tpu.memory_space<hbm>> -> memref<640x128xf32, #tpu.memory_space<hbm>>
      %dma_wait3A_32 = arith.constant 0 : i32
      %dma_wait3A_33 = tpu.memref_slice %arg7[%mul3A_0, %dma_wait3A_32] : memref<10240x128xf32, #tpu.memory_space<vmem_shared>> -> memref<640x128xf32, #tpu.memory_space<vmem_shared>>
      tpu.wait_dma2 semaphore(%run_scoped3A : memref<!tpu.dma_semaphore, #tpu.memory_space<semaphore_mem>>) src(%dma_wait3A_33 : memref<640x128xf32, #tpu.memory_space<vmem_shared>>) dst(%dma_wait3A_31 : memref<640x128xf32, #tpu.memory_space<hbm>>)
      tpu.yield
    }) : () -> ()
    return
  }
}

#map = affine_map<(d0, d1) -> (0, 0)>
#map1 = affine_map<(d0, d1) -> (0, 0, 0, 0)>
#map2 = affine_map<(d0, d1) -> (0, 0, 0)>
module attributes {stable_mosaic.version = 14 : i64} {
  func.func @agg(%arg0: i32, %arg1: i32, %arg2: memref<10000x128xf32, #tpu.memory_space<hbm>>, %arg3: memref<2x16x40x128xi32, #tpu.memory_space<hbm>>, %arg4: memref<2x16x40x128xi32, #tpu.memory_space<hbm>>, %arg5: memref<2x10240x128xf32, #tpu.memory_space<hbm>>, %arg6: memref<40x128xi32, #tpu.memory_space<vmem>>, %arg7: memref<40x128xi32, #tpu.memory_space<vmem>>, %arg8: memref<128x128xf32, #tpu.memory_space<vmem>>, %arg9: memref<128x128xf32, #tpu.memory_space<vmem>>, %arg10: memref<!tpu.dma_semaphore, #tpu.memory_space<semaphore_mem>>, %arg11: memref<!tpu.dma_semaphore, #tpu.memory_space<semaphore_mem>>, %arg12: memref<!tpu.dma_semaphore, #tpu.memory_space<semaphore_mem>>, %arg13: memref<!tpu.dma_semaphore, #tpu.memory_space<semaphore_mem>>, %arg14: memref<10240x128xf32, #tpu.memory_space<vmem_shared>>) attributes {dimension_semantics = [#tpu.dimension_semantics<core_parallel>, #tpu.dimension_semantics<subcore_parallel>], iteration_bounds = array<i64: 2, 16>, scalar_prefetch = 0 : i64, scratch_operands = 9 : i64, tpu.core_type = #tpu.core_type<sc_vector_subcore>, window_params = [{transform_indices = #map}, {transform_indices = #map1}, {transform_indices = #map1}, {transform_indices = #map2}]} {
    %mul3A = arith.constant 640 : i32
    %mul3A_0 = arith.muli %arg1, %mul3A : i32
    %scan3A = arith.constant 0 : i32
    %scan3A_1 = arith.constant 128 : i32
    %scan3A_2 = arith.addi %scan3A, %scan3A_1 : i32
    %scan3A_3 = arith.constant 1 : i32
    scf.for %scan3A_42 = %scan3A to %scan3A_2 step %scan3A_3  : i32 {
      %mul3A_43 = arith.constant 1 : i32
      %mul3A_44 = arith.muli %scan3A_42, %mul3A_43 : i32
      %add3A = arith.constant 0 : i32
      %add3A_45 = arith.addi %add3A, %mul3A_44 : i32
      %scan3A_46 = arith.constant 0 : i32
      %scan3A_47 = arith.constant 8 : i32
      %scan3A_48 = arith.addi %scan3A_46, %scan3A_47 : i32
      %scan3A_49 = arith.constant 1 : i32
      scf.for %scan3A_51 = %scan3A_46 to %scan3A_48 step %scan3A_49  : i32 {
        %mul3A_52 = arith.constant 1 : i32
        %mul3A_53 = arith.muli %scan3A_51, %mul3A_52 : i32
        %add3A_54 = arith.constant 0 : i32
        %add3A_55 = arith.addi %add3A_54, %mul3A_53 : i32
        %broadcast_in_dim3A = arith.constant 0.000000e+00 : f32
        %broadcast_in_dim3A_56 = vector.broadcast %broadcast_in_dim3A : f32 to vector<16xf32>
        %mul3A_57 = arith.constant 16 : i32
        %mul3A_58 = arith.muli %add3A_55, %mul3A_57 : i32
        %swap3A = arith.index_cast %add3A_45 : i32 to index
        %swap3A_59 = arith.index_cast %mul3A_58 : i32 to index
        %swap3A_60 = tpu.vector_load %arg8[%swap3A, %swap3A_59] {strides = array<i32>} : memref<128x128xf32, #tpu.memory_space<vmem>>, vector<1x16xf32>,
        %swap3A_61 = vector.shape_cast %swap3A_60 : vector<1x16xf32> to vector<16xf32>
        %swap3A_62 = vector.shape_cast %broadcast_in_dim3A_56 : vector<16xf32> to vector<1x16xf32>
        tpu.vector_store %arg8[%swap3A, %swap3A_59], %swap3A_62 {strides = array<i32>} : memref<128x128xf32, #tpu.memory_space<vmem>>, vector<1x16xf32>,
      }
      %scan3A_50 = arith.constant 8 : i32
    }
    %scan3A_4 = arith.constant 128 : i32
    %scan3A_5 = arith.constant 0 : i32
    %scan3A_6 = arith.constant 5 : i32
    %scan3A_7 = arith.addi %scan3A_5, %scan3A_6 : i32
    %scan3A_8 = arith.constant 1 : i32
    scf.for %scan3A_42 = %scan3A_5 to %scan3A_7 step %scan3A_8  : i32 {
      %mul3A_43 = arith.constant 1 : i32
      %mul3A_44 = arith.muli %scan3A_42, %mul3A_43 : i32
      %add3A = arith.constant 0 : i32
      %add3A_45 = arith.addi %add3A, %mul3A_44 : i32
      %mul3A_46 = arith.constant 128 : i32
      %mul3A_47 = arith.muli %add3A_45, %mul3A_46 : i32
      %add3A_48 = arith.addi %mul3A_0, %mul3A_47 : i32
      "tpu.region"() ({
        %run_scoped3A = tpu.sem_alloc : memref<!tpu.dma_semaphore, #tpu.memory_space<semaphore_mem>>
        %dma_start3A_49 = arith.constant 0 : i32
        %dma_start3A_50 = tpu.memref_slice %arg14[%add3A_48, %dma_start3A_49] : memref<10240x128xf32, #tpu.memory_space<vmem_shared>> -> memref<128x128xf32, #tpu.memory_space<vmem_shared>>
        %dma_start3A_51 = arith.constant 0 : i32
        %dma_start3A_52 = tpu.memref_slice %arg14[%add3A_48, %dma_start3A_51] : memref<10240x128xf32, #tpu.memory_space<vmem_shared>> -> memref<128x128xf32, #tpu.memory_space<vmem_shared>>
        tpu.enqueue_dma source(%arg8 : memref<128x128xf32, #tpu.memory_space<vmem>>) target(%dma_start3A_52 : memref<128x128xf32, #tpu.memory_space<vmem_shared>>) target_semaphore(%run_scoped3A : memref<!tpu.dma_semaphore, #tpu.memory_space<semaphore_mem>>)
        %dma_wait3A_53 = arith.constant 0 : i32
        %dma_wait3A_54 = tpu.memref_slice %arg14[%add3A_48, %dma_wait3A_53] : memref<10240x128xf32, #tpu.memory_space<vmem_shared>> -> memref<128x128xf32, #tpu.memory_space<vmem_shared>>
        %dma_wait3A_55 = arith.constant 0 : i32
        %dma_wait3A_56 = tpu.memref_slice %arg14[%add3A_48, %dma_wait3A_55] : memref<10240x128xf32, #tpu.memory_space<vmem_shared>> -> memref<128x128xf32, #tpu.memory_space<vmem_shared>>
        tpu.wait_dma2 semaphore(%run_scoped3A : memref<!tpu.dma_semaphore, #tpu.memory_space<semaphore_mem>>) src(%arg8 : memref<128x128xf32, #tpu.memory_space<vmem>>) dst(%dma_wait3A_56 : memref<128x128xf32, #tpu.memory_space<vmem_shared>>)
        tpu.yield
      }) : () -> ()
    }
    %scan3A_9 = arith.constant 5 : i32
    %barrier3A = arith.constant 0 : index
    tpu.barrier barrier_id(%barrier3A)
    "tpu.region"() ({
      %run_scoped3A = tpu.sem_alloc : memref<!tpu.dma_semaphore, #tpu.memory_space<semaphore_mem>>
      %dma_start3A_42 = arith.constant 0 : i32
      %dma_start3A_43 = arith.constant 0 : i32
      %dma_start3A_44 = tpu.memref_slice %arg3[%arg0, %arg1, %dma_start3A_42, %dma_start3A_43] : memref<2x16x40x128xi32, #tpu.memory_space<hbm>> -> memref<1x1x40x128xi32, #tpu.memory_space<hbm>>
      %dma_start3A_45 = tpu.memref_squeeze %dma_start3A_44 : memref<1x1x40x128xi32, #tpu.memory_space<hbm>> -> memref<40x128xi32, #tpu.memory_space<hbm>>
      %dma_start3A_46 = arith.constant 0 : i32
      %dma_start3A_47 = arith.constant 0 : i32
      %dma_start3A_48 = tpu.memref_slice %arg3[%arg0, %arg1, %dma_start3A_46, %dma_start3A_47] : memref<2x16x40x128xi32, #tpu.memory_space<hbm>> -> memref<1x1x40x128xi32, #tpu.memory_space<hbm>>
      %dma_start3A_49 = tpu.memref_squeeze %dma_start3A_48 : memref<1x1x40x128xi32, #tpu.memory_space<hbm>> -> memref<40x128xi32, #tpu.memory_space<hbm>>
      tpu.enqueue_dma source(%dma_start3A_49 : memref<40x128xi32, #tpu.memory_space<hbm>>) target(%arg6 : memref<40x128xi32, #tpu.memory_space<vmem>>) target_semaphore(%run_scoped3A : memref<!tpu.dma_semaphore, #tpu.memory_space<semaphore_mem>>)
      %dma_wait3A_50 = arith.constant 0 : i32
      %dma_wait3A_51 = arith.constant 0 : i32
      %dma_wait3A_52 = tpu.memref_slice %arg3[%arg0, %arg1, %dma_wait3A_50, %dma_wait3A_51] : memref<2x16x40x128xi32, #tpu.memory_space<hbm>> -> memref<1x1x40x128xi32, #tpu.memory_space<hbm>>
      %dma_wait3A_53 = tpu.memref_squeeze %dma_wait3A_52 : memref<1x1x40x128xi32, #tpu.memory_space<hbm>> -> memref<40x128xi32, #tpu.memory_space<hbm>>
      %dma_wait3A_54 = arith.constant 0 : i32
      %dma_wait3A_55 = arith.constant 0 : i32
      %dma_wait3A_56 = tpu.memref_slice %arg3[%arg0, %arg1, %dma_wait3A_54, %dma_wait3A_55] : memref<2x16x40x128xi32, #tpu.memory_space<hbm>> -> memref<1x1x40x128xi32, #tpu.memory_space<hbm>>
      %dma_wait3A_57 = tpu.memref_squeeze %dma_wait3A_56 : memref<1x1x40x128xi32, #tpu.memory_space<hbm>> -> memref<40x128xi32, #tpu.memory_space<hbm>>
      tpu.wait_dma2 semaphore(%run_scoped3A : memref<!tpu.dma_semaphore, #tpu.memory_space<semaphore_mem>>) src(%dma_wait3A_57 : memref<40x128xi32, #tpu.memory_space<hbm>>) dst(%arg6 : memref<40x128xi32, #tpu.memory_space<vmem>>)
      tpu.yield
    }) : () -> ()
    "tpu.region"() ({
      %run_scoped3A = tpu.sem_alloc : memref<!tpu.dma_semaphore, #tpu.memory_space<semaphore_mem>>
      %dma_start3A_42 = arith.constant 0 : i32
      %dma_start3A_43 = arith.constant 0 : i32
      %dma_start3A_44 = tpu.memref_slice %arg4[%arg0, %arg1, %dma_start3A_42, %dma_start3A_43] : memref<2x16x40x128xi32, #tpu.memory_space<hbm>> -> memref<1x1x40x128xi32, #tpu.memory_space<hbm>>
      %dma_start3A_45 = tpu.memref_squeeze %dma_start3A_44 : memref<1x1x40x128xi32, #tpu.memory_space<hbm>> -> memref<40x128xi32, #tpu.memory_space<hbm>>
      %dma_start3A_46 = arith.constant 0 : i32
      %dma_start3A_47 = arith.constant 0 : i32
      %dma_start3A_48 = tpu.memref_slice %arg4[%arg0, %arg1, %dma_start3A_46, %dma_start3A_47] : memref<2x16x40x128xi32, #tpu.memory_space<hbm>> -> memref<1x1x40x128xi32, #tpu.memory_space<hbm>>
      %dma_start3A_49 = tpu.memref_squeeze %dma_start3A_48 : memref<1x1x40x128xi32, #tpu.memory_space<hbm>> -> memref<40x128xi32, #tpu.memory_space<hbm>>
      tpu.enqueue_dma source(%dma_start3A_49 : memref<40x128xi32, #tpu.memory_space<hbm>>) target(%arg7 : memref<40x128xi32, #tpu.memory_space<vmem>>) target_semaphore(%run_scoped3A : memref<!tpu.dma_semaphore, #tpu.memory_space<semaphore_mem>>)
      %dma_wait3A_50 = arith.constant 0 : i32
      %dma_wait3A_51 = arith.constant 0 : i32
      %dma_wait3A_52 = tpu.memref_slice %arg4[%arg0, %arg1, %dma_wait3A_50, %dma_wait3A_51] : memref<2x16x40x128xi32, #tpu.memory_space<hbm>> -> memref<1x1x40x128xi32, #tpu.memory_space<hbm>>
      %dma_wait3A_53 = tpu.memref_squeeze %dma_wait3A_52 : memref<1x1x40x128xi32, #tpu.memory_space<hbm>> -> memref<40x128xi32, #tpu.memory_space<hbm>>
      %dma_wait3A_54 = arith.constant 0 : i32
      %dma_wait3A_55 = arith.constant 0 : i32
      %dma_wait3A_56 = tpu.memref_slice %arg4[%arg0, %arg1, %dma_wait3A_54, %dma_wait3A_55] : memref<2x16x40x128xi32, #tpu.memory_space<hbm>> -> memref<1x1x40x128xi32, #tpu.memory_space<hbm>>
      %dma_wait3A_57 = tpu.memref_squeeze %dma_wait3A_56 : memref<1x1x40x128xi32, #tpu.memory_space<hbm>> -> memref<40x128xi32, #tpu.memory_space<hbm>>
      tpu.wait_dma2 semaphore(%run_scoped3A : memref<!tpu.dma_semaphore, #tpu.memory_space<semaphore_mem>>) src(%dma_wait3A_57 : memref<40x128xi32, #tpu.memory_space<hbm>>) dst(%arg7 : memref<40x128xi32, #tpu.memory_space<vmem>>)
      tpu.yield
    }) : () -> ()
    %dma_start3A = arith.constant 0 : i32
    %dma_start3A_10 = arith.constant 0 : i32
    %dma_start3A_11 = tpu.memref_slice %arg6[%dma_start3A, %dma_start3A_10] : memref<40x128xi32, #tpu.memory_space<vmem>> -> memref<1x128xi32, #tpu.memory_space<vmem>>
    %dma_start3A_12 = tpu.memref_squeeze %dma_start3A_11 : memref<1x128xi32, #tpu.memory_space<vmem>> -> memref<128xi32, #tpu.memory_space<vmem>>
    %dma_start3A_13 = arith.constant 0 : i32
    %dma_start3A_14 = arith.constant 0 : i32
    %dma_start3A_15 = tpu.memref_slice %arg2[%dma_start3A_13, %dma_start3A_14] : memref<10000x128xf32, #tpu.memory_space<hbm>> -> memref<10000x128xf32, #tpu.memory_space<hbm>>
    tpu.enqueue_indirect_dma source(%dma_start3A_15 : memref<10000x128xf32, #tpu.memory_space<hbm>>) target(%arg8 : memref<128x128xf32, #tpu.memory_space<vmem>>) offsets(%dma_start3A_12 : memref<128xi32, #tpu.memory_space<vmem>>) semaphore(%arg10 : memref<!tpu.dma_semaphore, #tpu.memory_space<semaphore_mem>>)
    %dma_start3A_16 = arith.constant 1 : i32
    %dma_start3A_17 = arith.constant 0 : i32
    %dma_start3A_18 = tpu.memref_slice %arg6[%dma_start3A_16, %dma_start3A_17] : memref<40x128xi32, #tpu.memory_space<vmem>> -> memref<1x128xi32, #tpu.memory_space<vmem>>
    %dma_start3A_19 = tpu.memref_squeeze %dma_start3A_18 : memref<1x128xi32, #tpu.memory_space<vmem>> -> memref<128xi32, #tpu.memory_space<vmem>>
    %dma_start3A_20 = arith.constant 0 : i32
    %dma_start3A_21 = arith.constant 0 : i32
    %dma_start3A_22 = tpu.memref_slice %arg2[%dma_start3A_20, %dma_start3A_21] : memref<10000x128xf32, #tpu.memory_space<hbm>> -> memref<10000x128xf32, #tpu.memory_space<hbm>>
    tpu.enqueue_indirect_dma source(%dma_start3A_22 : memref<10000x128xf32, #tpu.memory_space<hbm>>) target(%arg9 : memref<128x128xf32, #tpu.memory_space<vmem>>) offsets(%dma_start3A_19 : memref<128xi32, #tpu.memory_space<vmem>>) semaphore(%arg11 : memref<!tpu.dma_semaphore, #tpu.memory_space<semaphore_mem>>)
    %scan3A_23 = arith.constant 0 : i32
    %scan3A_24 = arith.constant 20 : i32
    %scan3A_25 = arith.addi %scan3A_23, %scan3A_24 : i32
    %scan3A_26 = arith.constant 1 : i32
    scf.for %scan3A_42 = %scan3A_23 to %scan3A_25 step %scan3A_26  : i32 {
      %mul3A_43 = arith.constant 1 : i32
      %mul3A_44 = arith.muli %scan3A_42, %mul3A_43 : i32
      %add3A = arith.constant 0 : i32
      %add3A_45 = arith.addi %add3A, %mul3A_44 : i32
      %mul3A_46 = arith.constant 2 : i32
      %mul3A_47 = arith.muli %add3A_45, %mul3A_46 : i32
      %add3A_48 = arith.constant 0 : i32
      %add3A_49 = arith.addi %mul3A_47, %add3A_48 : i32
      %dma_wait3A_50 = arith.constant 0 : i32
      %dma_wait3A_51 = tpu.memref_slice %arg6[%add3A_49, %dma_wait3A_50] : memref<40x128xi32, #tpu.memory_space<vmem>> -> memref<1x128xi32, #tpu.memory_space<vmem>>
      %dma_wait3A_52 = tpu.memref_squeeze %dma_wait3A_51 : memref<1x128xi32, #tpu.memory_space<vmem>> -> memref<128xi32, #tpu.memory_space<vmem>>
      %dma_wait3A_53 = arith.constant 0 : i32
      %dma_wait3A_54 = arith.constant 0 : i32
      %dma_wait3A_55 = tpu.memref_slice %arg2[%dma_wait3A_53, %dma_wait3A_54] : memref<10000x128xf32, #tpu.memory_space<hbm>> -> memref<10000x128xf32, #tpu.memory_space<hbm>>
      tpu.wait_indirect_dma semaphore(%arg10 : memref<!tpu.dma_semaphore, #tpu.memory_space<semaphore_mem>>) src(%dma_wait3A_55 : memref<10000x128xf32, #tpu.memory_space<hbm>>) dst(%arg8 : memref<128x128xf32, #tpu.memory_space<vmem>>)
      %dma_start3A_56 = arith.constant 0 : i32
      %dma_start3A_57 = tpu.memref_slice %arg7[%add3A_49, %dma_start3A_56] : memref<40x128xi32, #tpu.memory_space<vmem>> -> memref<1x128xi32, #tpu.memory_space<vmem>>
      %dma_start3A_58 = tpu.memref_squeeze %dma_start3A_57 : memref<1x128xi32, #tpu.memory_space<vmem>> -> memref<128xi32, #tpu.memory_space<vmem>>
      %dma_start3A_59 = arith.constant 0 : i32
      %dma_start3A_60 = arith.constant 0 : i32
      %dma_start3A_61 = tpu.memref_slice %arg14[%dma_start3A_59, %dma_start3A_60] : memref<10240x128xf32, #tpu.memory_space<vmem_shared>> -> memref<10240x128xf32, #tpu.memory_space<vmem_shared>>
      tpu.enqueue_indirect_dma source(%arg8 : memref<128x128xf32, #tpu.memory_space<vmem>>) target(%dma_start3A_61 : memref<10240x128xf32, #tpu.memory_space<vmem_shared>>) offsets(%dma_start3A_58 : memref<128xi32, #tpu.memory_space<vmem>>) semaphore(%arg12 : memref<!tpu.dma_semaphore, #tpu.memory_space<semaphore_mem>>) {add = true}
      %add3A_62 = arith.constant 2 : i32
      %add3A_63 = arith.addi %add3A_49, %add3A_62 : i32
      %lt3A = arith.constant 40 : i32
      %lt3A_64 = arith.cmpi slt, %add3A_63, %lt3A : i32
      %convert_element_type3A = arith.extui %lt3A_64 : i1 to i32
      %cond3A = arith.constant 0 : i32
      %cond3A_65 = arith.cmpi ne, %convert_element_type3A, %cond3A : i32
      scf.if %cond3A_65 {
        %dma_wait3A_89 = arith.constant 0 : i32
        %dma_wait3A_90 = tpu.memref_slice %arg7[%add3A_49, %dma_wait3A_89] : memref<40x128xi32, #tpu.memory_space<vmem>> -> memref<1x128xi32, #tpu.memory_space<vmem>>
        %dma_wait3A_91 = tpu.memref_squeeze %dma_wait3A_90 : memref<1x128xi32, #tpu.memory_space<vmem>> -> memref<128xi32, #tpu.memory_space<vmem>>
        %dma_wait3A_92 = arith.constant 0 : i32
        %dma_wait3A_93 = arith.constant 0 : i32
        %dma_wait3A_94 = tpu.memref_slice %arg14[%dma_wait3A_92, %dma_wait3A_93] : memref<10240x128xf32, #tpu.memory_space<vmem_shared>> -> memref<10240x128xf32, #tpu.memory_space<vmem_shared>>
        tpu.wait_indirect_dma semaphore(%arg12 : memref<!tpu.dma_semaphore, #tpu.memory_space<semaphore_mem>>) src(%arg8 : memref<128x128xf32, #tpu.memory_space<vmem>>) dst(%dma_wait3A_94 : memref<10240x128xf32, #tpu.memory_space<vmem_shared>>)
        %dma_start3A_95 = arith.constant 0 : i32
        %dma_start3A_96 = tpu.memref_slice %arg6[%add3A_63, %dma_start3A_95] : memref<40x128xi32, #tpu.memory_space<vmem>> -> memref<1x128xi32, #tpu.memory_space<vmem>>
        %dma_start3A_97 = tpu.memref_squeeze %dma_start3A_96 : memref<1x128xi32, #tpu.memory_space<vmem>> -> memref<128xi32, #tpu.memory_space<vmem>>
        %dma_start3A_98 = arith.constant 0 : i32
        %dma_start3A_99 = arith.constant 0 : i32
        %dma_start3A_100 = tpu.memref_slice %arg2[%dma_start3A_98, %dma_start3A_99] : memref<10000x128xf32, #tpu.memory_space<hbm>> -> memref<10000x128xf32, #tpu.memory_space<hbm>>
        tpu.enqueue_indirect_dma source(%dma_start3A_100 : memref<10000x128xf32, #tpu.memory_space<hbm>>) target(%arg8 : memref<128x128xf32, #tpu.memory_space<vmem>>) offsets(%dma_start3A_97 : memref<128xi32, #tpu.memory_space<vmem>>) semaphore(%arg10 : memref<!tpu.dma_semaphore, #tpu.memory_space<semaphore_mem>>)
      } else {
      }
      %mul3A_66 = arith.constant 2 : i32
      %mul3A_67 = arith.muli %add3A_45, %mul3A_66 : i32
      %add3A_68 = arith.constant 1 : i32
      %add3A_69 = arith.addi %mul3A_67, %add3A_68 : i32
      %dma_wait3A_70 = arith.constant 0 : i32
      %dma_wait3A_71 = tpu.memref_slice %arg6[%add3A_69, %dma_wait3A_70] : memref<40x128xi32, #tpu.memory_space<vmem>> -> memref<1x128xi32, #tpu.memory_space<vmem>>
      %dma_wait3A_72 = tpu.memref_squeeze %dma_wait3A_71 : memref<1x128xi32, #tpu.memory_space<vmem>> -> memref<128xi32, #tpu.memory_space<vmem>>
      %dma_wait3A_73 = arith.constant 0 : i32
      %dma_wait3A_74 = arith.constant 0 : i32
      %dma_wait3A_75 = tpu.memref_slice %arg2[%dma_wait3A_73, %dma_wait3A_74] : memref<10000x128xf32, #tpu.memory_space<hbm>> -> memref<10000x128xf32, #tpu.memory_space<hbm>>
      tpu.wait_indirect_dma semaphore(%arg11 : memref<!tpu.dma_semaphore, #tpu.memory_space<semaphore_mem>>) src(%dma_wait3A_75 : memref<10000x128xf32, #tpu.memory_space<hbm>>) dst(%arg9 : memref<128x128xf32, #tpu.memory_space<vmem>>)
      %dma_start3A_76 = arith.constant 0 : i32
      %dma_start3A_77 = tpu.memref_slice %arg7[%add3A_69, %dma_start3A_76] : memref<40x128xi32, #tpu.memory_space<vmem>> -> memref<1x128xi32, #tpu.memory_space<vmem>>
      %dma_start3A_78 = tpu.memref_squeeze %dma_start3A_77 : memref<1x128xi32, #tpu.memory_space<vmem>> -> memref<128xi32, #tpu.memory_space<vmem>>
      %dma_start3A_79 = arith.constant 0 : i32
      %dma_start3A_80 = arith.constant 0 : i32
      %dma_start3A_81 = tpu.memref_slice %arg14[%dma_start3A_79, %dma_start3A_80] : memref<10240x128xf32, #tpu.memory_space<vmem_shared>> -> memref<10240x128xf32, #tpu.memory_space<vmem_shared>>
      tpu.enqueue_indirect_dma source(%arg9 : memref<128x128xf32, #tpu.memory_space<vmem>>) target(%dma_start3A_81 : memref<10240x128xf32, #tpu.memory_space<vmem_shared>>) offsets(%dma_start3A_78 : memref<128xi32, #tpu.memory_space<vmem>>) semaphore(%arg13 : memref<!tpu.dma_semaphore, #tpu.memory_space<semaphore_mem>>) {add = true}
      %add3A_82 = arith.constant 2 : i32
      %add3A_83 = arith.addi %add3A_69, %add3A_82 : i32
      %lt3A_84 = arith.constant 40 : i32
      %lt3A_85 = arith.cmpi slt, %add3A_83, %lt3A_84 : i32
      %convert_element_type3A_86 = arith.extui %lt3A_85 : i1 to i32
      %cond3A_87 = arith.constant 0 : i32
      %cond3A_88 = arith.cmpi ne, %convert_element_type3A_86, %cond3A_87 : i32
      scf.if %cond3A_88 {
        %dma_wait3A_89 = arith.constant 0 : i32
        %dma_wait3A_90 = tpu.memref_slice %arg7[%add3A_69, %dma_wait3A_89] : memref<40x128xi32, #tpu.memory_space<vmem>> -> memref<1x128xi32, #tpu.memory_space<vmem>>
        %dma_wait3A_91 = tpu.memref_squeeze %dma_wait3A_90 : memref<1x128xi32, #tpu.memory_space<vmem>> -> memref<128xi32, #tpu.memory_space<vmem>>
        %dma_wait3A_92 = arith.constant 0 : i32
        %dma_wait3A_93 = arith.constant 0 : i32
        %dma_wait3A_94 = tpu.memref_slice %arg14[%dma_wait3A_92, %dma_wait3A_93] : memref<10240x128xf32, #tpu.memory_space<vmem_shared>> -> memref<10240x128xf32, #tpu.memory_space<vmem_shared>>
        tpu.wait_indirect_dma semaphore(%arg13 : memref<!tpu.dma_semaphore, #tpu.memory_space<semaphore_mem>>) src(%arg9 : memref<128x128xf32, #tpu.memory_space<vmem>>) dst(%dma_wait3A_94 : memref<10240x128xf32, #tpu.memory_space<vmem_shared>>)
        %dma_start3A_95 = arith.constant 0 : i32
        %dma_start3A_96 = tpu.memref_slice %arg6[%add3A_83, %dma_start3A_95] : memref<40x128xi32, #tpu.memory_space<vmem>> -> memref<1x128xi32, #tpu.memory_space<vmem>>
        %dma_start3A_97 = tpu.memref_squeeze %dma_start3A_96 : memref<1x128xi32, #tpu.memory_space<vmem>> -> memref<128xi32, #tpu.memory_space<vmem>>
        %dma_start3A_98 = arith.constant 0 : i32
        %dma_start3A_99 = arith.constant 0 : i32
        %dma_start3A_100 = tpu.memref_slice %arg2[%dma_start3A_98, %dma_start3A_99] : memref<10000x128xf32, #tpu.memory_space<hbm>> -> memref<10000x128xf32, #tpu.memory_space<hbm>>
        tpu.enqueue_indirect_dma source(%dma_start3A_100 : memref<10000x128xf32, #tpu.memory_space<hbm>>) target(%arg9 : memref<128x128xf32, #tpu.memory_space<vmem>>) offsets(%dma_start3A_97 : memref<128xi32, #tpu.memory_space<vmem>>) semaphore(%arg11 : memref<!tpu.dma_semaphore, #tpu.memory_space<semaphore_mem>>)
      } else {
      }
    }
    %scan3A_27 = arith.constant 20 : i32
    %dma_wait3A = arith.constant 38 : i32
    %dma_wait3A_28 = arith.constant 0 : i32
    %dma_wait3A_29 = tpu.memref_slice %arg7[%dma_wait3A, %dma_wait3A_28] : memref<40x128xi32, #tpu.memory_space<vmem>> -> memref<1x128xi32, #tpu.memory_space<vmem>>
    %dma_wait3A_30 = tpu.memref_squeeze %dma_wait3A_29 : memref<1x128xi32, #tpu.memory_space<vmem>> -> memref<128xi32, #tpu.memory_space<vmem>>
    %dma_wait3A_31 = arith.constant 0 : i32
    %dma_wait3A_32 = arith.constant 0 : i32
    %dma_wait3A_33 = tpu.memref_slice %arg14[%dma_wait3A_31, %dma_wait3A_32] : memref<10240x128xf32, #tpu.memory_space<vmem_shared>> -> memref<10240x128xf32, #tpu.memory_space<vmem_shared>>
    tpu.wait_indirect_dma semaphore(%arg12 : memref<!tpu.dma_semaphore, #tpu.memory_space<semaphore_mem>>) src(%arg8 : memref<128x128xf32, #tpu.memory_space<vmem>>) dst(%dma_wait3A_33 : memref<10240x128xf32, #tpu.memory_space<vmem_shared>>)
    %dma_wait3A_34 = arith.constant 39 : i32
    %dma_wait3A_35 = arith.constant 0 : i32
    %dma_wait3A_36 = tpu.memref_slice %arg7[%dma_wait3A_34, %dma_wait3A_35] : memref<40x128xi32, #tpu.memory_space<vmem>> -> memref<1x128xi32, #tpu.memory_space<vmem>>
    %dma_wait3A_37 = tpu.memref_squeeze %dma_wait3A_36 : memref<1x128xi32, #tpu.memory_space<vmem>> -> memref<128xi32, #tpu.memory_space<vmem>>
    %dma_wait3A_38 = arith.constant 0 : i32
    %dma_wait3A_39 = arith.constant 0 : i32
    %dma_wait3A_40 = tpu.memref_slice %arg14[%dma_wait3A_38, %dma_wait3A_39] : memref<10240x128xf32, #tpu.memory_space<vmem_shared>> -> memref<10240x128xf32, #tpu.memory_space<vmem_shared>>
    tpu.wait_indirect_dma semaphore(%arg13 : memref<!tpu.dma_semaphore, #tpu.memory_space<semaphore_mem>>) src(%arg9 : memref<128x128xf32, #tpu.memory_space<vmem>>) dst(%dma_wait3A_40 : memref<10240x128xf32, #tpu.memory_space<vmem_shared>>)
    %barrier3A_41 = arith.constant 0 : index
    tpu.barrier barrier_id(%barrier3A_41)
    "tpu.region"() ({
      %run_scoped3A = tpu.sem_alloc : memref<!tpu.dma_semaphore, #tpu.memory_space<semaphore_mem>>
      %dma_start3A_42 = arith.constant 0 : i32
      %dma_start3A_43 = tpu.memref_slice %arg5[%arg0, %mul3A_0, %dma_start3A_42] : memref<2x10240x128xf32, #tpu.memory_space<hbm>> -> memref<1x640x128xf32, #tpu.memory_space<hbm>>
      %dma_start3A_44 = tpu.memref_squeeze %dma_start3A_43 : memref<1x640x128xf32, #tpu.memory_space<hbm>> -> memref<640x128xf32, #tpu.memory_space<hbm>>
      %dma_start3A_45 = arith.constant 0 : i32
      %dma_start3A_46 = tpu.memref_slice %arg14[%mul3A_0, %dma_start3A_45] : memref<10240x128xf32, #tpu.memory_space<vmem_shared>> -> memref<640x128xf32, #tpu.memory_space<vmem_shared>>
      tpu.enqueue_dma source(%dma_start3A_46 : memref<640x128xf32, #tpu.memory_space<vmem_shared>>) target(%dma_start3A_44 : memref<640x128xf32, #tpu.memory_space<hbm>>) target_semaphore(%run_scoped3A : memref<!tpu.dma_semaphore, #tpu.memory_space<semaphore_mem>>)
      %dma_wait3A_47 = arith.constant 0 : i32
      %dma_wait3A_48 = tpu.memref_slice %arg5[%arg0, %mul3A_0, %dma_wait3A_47] : memref<2x10240x128xf32, #tpu.memory_space<hbm>> -> memref<1x640x128xf32, #tpu.memory_space<hbm>>
      %dma_wait3A_49 = tpu.memref_squeeze %dma_wait3A_48 : memref<1x640x128xf32, #tpu.memory_space<hbm>> -> memref<640x128xf32, #tpu.memory_space<hbm>>
      %dma_wait3A_50 = arith.constant 0 : i32
      %dma_wait3A_51 = tpu.memref_slice %arg14[%mul3A_0, %dma_wait3A_50] : memref<10240x128xf32, #tpu.memory_space<vmem_shared>> -> memref<640x128xf32, #tpu.memory_space<vmem_shared>>
      tpu.wait_dma2 semaphore(%run_scoped3A : memref<!tpu.dma_semaphore, #tpu.memory_space<semaphore_mem>>) src(%dma_wait3A_51 : memref<640x128xf32, #tpu.memory_space<vmem_shared>>) dst(%dma_wait3A_49 : memref<640x128xf32, #tpu.memory_space<hbm>>)
      tpu.yield
    }) : () -> ()
    return
  }
}

#map = affine_map<(d0, d1) -> (0, 0)>
#map1 = affine_map<(d0, d1) -> (0, 0, 0, 0)>
#map2 = affine_map<(d0, d1) -> (0, 0, 0)>
module attributes {stable_mosaic.version = 14 : i64} {
  func.func @agg(%arg0: i32, %arg1: i32, %arg2: memref<20000x128xf32, #tpu.memory_space<hbm>>, %arg3: memref<2x16x80x128xi32, #tpu.memory_space<hbm>>, %arg4: memref<2x16x80x128xi32, #tpu.memory_space<hbm>>, %arg5: memref<2x10240x128xf32, #tpu.memory_space<hbm>>, %arg6: memref<40x128xi32, #tpu.memory_space<vmem>>, %arg7: memref<40x128xi32, #tpu.memory_space<vmem>>, %arg8: memref<128x128xf32, #tpu.memory_space<vmem>>, %arg9: memref<128x128xf32, #tpu.memory_space<vmem>>, %arg10: memref<!tpu.dma_semaphore, #tpu.memory_space<semaphore_mem>>, %arg11: memref<!tpu.dma_semaphore, #tpu.memory_space<semaphore_mem>>, %arg12: memref<!tpu.dma_semaphore, #tpu.memory_space<semaphore_mem>>, %arg13: memref<!tpu.dma_semaphore, #tpu.memory_space<semaphore_mem>>, %arg14: memref<10240x128xf32, #tpu.memory_space<vmem_shared>>) attributes {dimension_semantics = [#tpu.dimension_semantics<core_parallel>, #tpu.dimension_semantics<subcore_parallel>], iteration_bounds = array<i64: 2, 16>, scalar_prefetch = 0 : i64, scratch_operands = 9 : i64, tpu.core_type = #tpu.core_type<sc_vector_subcore>, window_params = [{transform_indices = #map}, {transform_indices = #map1}, {transform_indices = #map1}, {transform_indices = #map2}]} {
    %mul3A = arith.constant 640 : i32
    %mul3A_0 = arith.muli %arg1, %mul3A : i32
    %scan3A = arith.constant 0 : i32
    %scan3A_1 = arith.constant 128 : i32
    %scan3A_2 = arith.addi %scan3A, %scan3A_1 : i32
    %scan3A_3 = arith.constant 1 : i32
    scf.for %scan3A_75 = %scan3A to %scan3A_2 step %scan3A_3  : i32 {
      %mul3A_76 = arith.constant 1 : i32
      %mul3A_77 = arith.muli %scan3A_75, %mul3A_76 : i32
      %add3A = arith.constant 0 : i32
      %add3A_78 = arith.addi %add3A, %mul3A_77 : i32
      %scan3A_79 = arith.constant 0 : i32
      %scan3A_80 = arith.constant 8 : i32
      %scan3A_81 = arith.addi %scan3A_79, %scan3A_80 : i32
      %scan3A_82 = arith.constant 1 : i32
      scf.for %scan3A_84 = %scan3A_79 to %scan3A_81 step %scan3A_82  : i32 {
        %mul3A_85 = arith.constant 1 : i32
        %mul3A_86 = arith.muli %scan3A_84, %mul3A_85 : i32
        %add3A_87 = arith.constant 0 : i32
        %add3A_88 = arith.addi %add3A_87, %mul3A_86 : i32
        %broadcast_in_dim3A = arith.constant 0.000000e+00 : f32
        %broadcast_in_dim3A_89 = vector.broadcast %broadcast_in_dim3A : f32 to vector<16xf32>
        %mul3A_90 = arith.constant 16 : i32
        %mul3A_91 = arith.muli %add3A_88, %mul3A_90 : i32
        %swap3A = arith.index_cast %add3A_78 : i32 to index
        %swap3A_92 = arith.index_cast %mul3A_91 : i32 to index
        %swap3A_93 = tpu.vector_load %arg8[%swap3A, %swap3A_92] {strides = array<i32>} : memref<128x128xf32, #tpu.memory_space<vmem>>, vector<1x16xf32>,
        %swap3A_94 = vector.shape_cast %swap3A_93 : vector<1x16xf32> to vector<16xf32>
        %swap3A_95 = vector.shape_cast %broadcast_in_dim3A_89 : vector<16xf32> to vector<1x16xf32>
        tpu.vector_store %arg8[%swap3A, %swap3A_92], %swap3A_95 {strides = array<i32>} : memref<128x128xf32, #tpu.memory_space<vmem>>, vector<1x16xf32>,
      }
      %scan3A_83 = arith.constant 8 : i32
    }
    %scan3A_4 = arith.constant 128 : i32
    %scan3A_5 = arith.constant 0 : i32
    %scan3A_6 = arith.constant 5 : i32
    %scan3A_7 = arith.addi %scan3A_5, %scan3A_6 : i32
    %scan3A_8 = arith.constant 1 : i32
    scf.for %scan3A_75 = %scan3A_5 to %scan3A_7 step %scan3A_8  : i32 {
      %mul3A_76 = arith.constant 1 : i32
      %mul3A_77 = arith.muli %scan3A_75, %mul3A_76 : i32
      %add3A = arith.constant 0 : i32
      %add3A_78 = arith.addi %add3A, %mul3A_77 : i32
      %mul3A_79 = arith.constant 128 : i32
      %mul3A_80 = arith.muli %add3A_78, %mul3A_79 : i32
      %add3A_81 = arith.addi %mul3A_0, %mul3A_80 : i32
      "tpu.region"() ({
        %run_scoped3A = tpu.sem_alloc : memref<!tpu.dma_semaphore, #tpu.memory_space<semaphore_mem>>
        %dma_start3A_82 = arith.constant 0 : i32
        %dma_start3A_83 = tpu.memref_slice %arg14[%add3A_81, %dma_start3A_82] : memref<10240x128xf32, #tpu.memory_space<vmem_shared>> -> memref<128x128xf32, #tpu.memory_space<vmem_shared>>
        %dma_start3A_84 = arith.constant 0 : i32
        %dma_start3A_85 = tpu.memref_slice %arg14[%add3A_81, %dma_start3A_84] : memref<10240x128xf32, #tpu.memory_space<vmem_shared>> -> memref<128x128xf32, #tpu.memory_space<vmem_shared>>
        tpu.enqueue_dma source(%arg8 : memref<128x128xf32, #tpu.memory_space<vmem>>) target(%dma_start3A_85 : memref<128x128xf32, #tpu.memory_space<vmem_shared>>) target_semaphore(%run_scoped3A : memref<!tpu.dma_semaphore, #tpu.memory_space<semaphore_mem>>)
        %dma_wait3A_86 = arith.constant 0 : i32
        %dma_wait3A_87 = tpu.memref_slice %arg14[%add3A_81, %dma_wait3A_86] : memref<10240x128xf32, #tpu.memory_space<vmem_shared>> -> memref<128x128xf32, #tpu.memory_space<vmem_shared>>
        %dma_wait3A_88 = arith.constant 0 : i32
        %dma_wait3A_89 = tpu.memref_slice %arg14[%add3A_81, %dma_wait3A_88] : memref<10240x128xf32, #tpu.memory_space<vmem_shared>> -> memref<128x128xf32, #tpu.memory_space<vmem_shared>>
        tpu.wait_dma2 semaphore(%run_scoped3A : memref<!tpu.dma_semaphore, #tpu.memory_space<semaphore_mem>>) src(%arg8 : memref<128x128xf32, #tpu.memory_space<vmem>>) dst(%dma_wait3A_89 : memref<128x128xf32, #tpu.memory_space<vmem_shared>>)
        tpu.yield
      }) : () -> ()
    }
    %scan3A_9 = arith.constant 5 : i32
    %barrier3A = arith.constant 0 : index
    tpu.barrier barrier_id(%barrier3A)
    "tpu.region"() ({
      %run_scoped3A = tpu.sem_alloc : memref<!tpu.dma_semaphore, #tpu.memory_space<semaphore_mem>>
      %dma_start3A_75 = arith.constant 0 : i32
      %dma_start3A_76 = arith.constant 0 : i32
      %dma_start3A_77 = tpu.memref_slice %arg3[%arg0, %arg1, %dma_start3A_75, %dma_start3A_76] : memref<2x16x80x128xi32, #tpu.memory_space<hbm>> -> memref<1x1x40x128xi32, #tpu.memory_space<hbm>>
      %dma_start3A_78 = tpu.memref_squeeze %dma_start3A_77 : memref<1x1x40x128xi32, #tpu.memory_space<hbm>> -> memref<40x128xi32, #tpu.memory_space<hbm>>
      %dma_start3A_79 = arith.constant 0 : i32
      %dma_start3A_80 = arith.constant 0 : i32
      %dma_start3A_81 = tpu.memref_slice %arg3[%arg0, %arg1, %dma_start3A_79, %dma_start3A_80] : memref<2x16x80x128xi32, #tpu.memory_space<hbm>> -> memref<1x1x40x128xi32, #tpu.memory_space<hbm>>
      %dma_start3A_82 = tpu.memref_squeeze %dma_start3A_81 : memref<1x1x40x128xi32, #tpu.memory_space<hbm>> -> memref<40x128xi32, #tpu.memory_space<hbm>>
      tpu.enqueue_dma source(%dma_start3A_82 : memref<40x128xi32, #tpu.memory_space<hbm>>) target(%arg6 : memref<40x128xi32, #tpu.memory_space<vmem>>) target_semaphore(%run_scoped3A : memref<!tpu.dma_semaphore, #tpu.memory_space<semaphore_mem>>)
      %dma_wait3A_83 = arith.constant 0 : i32
      %dma_wait3A_84 = arith.constant 0 : i32
      %dma_wait3A_85 = tpu.memref_slice %arg3[%arg0, %arg1, %dma_wait3A_83, %dma_wait3A_84] : memref<2x16x80x128xi32, #tpu.memory_space<hbm>> -> memref<1x1x40x128xi32, #tpu.memory_space<hbm>>
      %dma_wait3A_86 = tpu.memref_squeeze %dma_wait3A_85 : memref<1x1x40x128xi32, #tpu.memory_space<hbm>> -> memref<40x128xi32, #tpu.memory_space<hbm>>
      %dma_wait3A_87 = arith.constant 0 : i32
      %dma_wait3A_88 = arith.constant 0 : i32
      %dma_wait3A_89 = tpu.memref_slice %arg3[%arg0, %arg1, %dma_wait3A_87, %dma_wait3A_88] : memref<2x16x80x128xi32, #tpu.memory_space<hbm>> -> memref<1x1x40x128xi32, #tpu.memory_space<hbm>>
      %dma_wait3A_90 = tpu.memref_squeeze %dma_wait3A_89 : memref<1x1x40x128xi32, #tpu.memory_space<hbm>> -> memref<40x128xi32, #tpu.memory_space<hbm>>
      tpu.wait_dma2 semaphore(%run_scoped3A : memref<!tpu.dma_semaphore, #tpu.memory_space<semaphore_mem>>) src(%dma_wait3A_90 : memref<40x128xi32, #tpu.memory_space<hbm>>) dst(%arg6 : memref<40x128xi32, #tpu.memory_space<vmem>>)
      tpu.yield
    }) : () -> ()
    "tpu.region"() ({
      %run_scoped3A = tpu.sem_alloc : memref<!tpu.dma_semaphore, #tpu.memory_space<semaphore_mem>>
      %dma_start3A_75 = arith.constant 0 : i32
      %dma_start3A_76 = arith.constant 0 : i32
      %dma_start3A_77 = tpu.memref_slice %arg4[%arg0, %arg1, %dma_start3A_75, %dma_start3A_76] : memref<2x16x80x128xi32, #tpu.memory_space<hbm>> -> memref<1x1x40x128xi32, #tpu.memory_space<hbm>>
      %dma_start3A_78 = tpu.memref_squeeze %dma_start3A_77 : memref<1x1x40x128xi32, #tpu.memory_space<hbm>> -> memref<40x128xi32, #tpu.memory_space<hbm>>
      %dma_start3A_79 = arith.constant 0 : i32
      %dma_start3A_80 = arith.constant 0 : i32
      %dma_start3A_81 = tpu.memref_slice %arg4[%arg0, %arg1, %dma_start3A_79, %dma_start3A_80] : memref<2x16x80x128xi32, #tpu.memory_space<hbm>> -> memref<1x1x40x128xi32, #tpu.memory_space<hbm>>
      %dma_start3A_82 = tpu.memref_squeeze %dma_start3A_81 : memref<1x1x40x128xi32, #tpu.memory_space<hbm>> -> memref<40x128xi32, #tpu.memory_space<hbm>>
      tpu.enqueue_dma source(%dma_start3A_82 : memref<40x128xi32, #tpu.memory_space<hbm>>) target(%arg7 : memref<40x128xi32, #tpu.memory_space<vmem>>) target_semaphore(%run_scoped3A : memref<!tpu.dma_semaphore, #tpu.memory_space<semaphore_mem>>)
      %dma_wait3A_83 = arith.constant 0 : i32
      %dma_wait3A_84 = arith.constant 0 : i32
      %dma_wait3A_85 = tpu.memref_slice %arg4[%arg0, %arg1, %dma_wait3A_83, %dma_wait3A_84] : memref<2x16x80x128xi32, #tpu.memory_space<hbm>> -> memref<1x1x40x128xi32, #tpu.memory_space<hbm>>
      %dma_wait3A_86 = tpu.memref_squeeze %dma_wait3A_85 : memref<1x1x40x128xi32, #tpu.memory_space<hbm>> -> memref<40x128xi32, #tpu.memory_space<hbm>>
      %dma_wait3A_87 = arith.constant 0 : i32
      %dma_wait3A_88 = arith.constant 0 : i32
      %dma_wait3A_89 = tpu.memref_slice %arg4[%arg0, %arg1, %dma_wait3A_87, %dma_wait3A_88] : memref<2x16x80x128xi32, #tpu.memory_space<hbm>> -> memref<1x1x40x128xi32, #tpu.memory_space<hbm>>
      %dma_wait3A_90 = tpu.memref_squeeze %dma_wait3A_89 : memref<1x1x40x128xi32, #tpu.memory_space<hbm>> -> memref<40x128xi32, #tpu.memory_space<hbm>>
      tpu.wait_dma2 semaphore(%run_scoped3A : memref<!tpu.dma_semaphore, #tpu.memory_space<semaphore_mem>>) src(%dma_wait3A_90 : memref<40x128xi32, #tpu.memory_space<hbm>>) dst(%arg7 : memref<40x128xi32, #tpu.memory_space<vmem>>)
      tpu.yield
    }) : () -> ()
    %dma_start3A = arith.constant 0 : i32
    %dma_start3A_10 = arith.constant 0 : i32
    %dma_start3A_11 = tpu.memref_slice %arg6[%dma_start3A, %dma_start3A_10] : memref<40x128xi32, #tpu.memory_space<vmem>> -> memref<1x128xi32, #tpu.memory_space<vmem>>
    %dma_start3A_12 = tpu.memref_squeeze %dma_start3A_11 : memref<1x128xi32, #tpu.memory_space<vmem>> -> memref<128xi32, #tpu.memory_space<vmem>>
    %dma_start3A_13 = arith.constant 0 : i32
    %dma_start3A_14 = arith.constant 0 : i32
    %dma_start3A_15 = tpu.memref_slice %arg2[%dma_start3A_13, %dma_start3A_14] : memref<20000x128xf32, #tpu.memory_space<hbm>> -> memref<20000x128xf32, #tpu.memory_space<hbm>>
    tpu.enqueue_indirect_dma source(%dma_start3A_15 : memref<20000x128xf32, #tpu.memory_space<hbm>>) target(%arg8 : memref<128x128xf32, #tpu.memory_space<vmem>>) offsets(%dma_start3A_12 : memref<128xi32, #tpu.memory_space<vmem>>) semaphore(%arg10 : memref<!tpu.dma_semaphore, #tpu.memory_space<semaphore_mem>>)
    %dma_start3A_16 = arith.constant 1 : i32
    %dma_start3A_17 = arith.constant 0 : i32
    %dma_start3A_18 = tpu.memref_slice %arg6[%dma_start3A_16, %dma_start3A_17] : memref<40x128xi32, #tpu.memory_space<vmem>> -> memref<1x128xi32, #tpu.memory_space<vmem>>
    %dma_start3A_19 = tpu.memref_squeeze %dma_start3A_18 : memref<1x128xi32, #tpu.memory_space<vmem>> -> memref<128xi32, #tpu.memory_space<vmem>>
    %dma_start3A_20 = arith.constant 0 : i32
    %dma_start3A_21 = arith.constant 0 : i32
    %dma_start3A_22 = tpu.memref_slice %arg2[%dma_start3A_20, %dma_start3A_21] : memref<20000x128xf32, #tpu.memory_space<hbm>> -> memref<20000x128xf32, #tpu.memory_space<hbm>>
    tpu.enqueue_indirect_dma source(%dma_start3A_22 : memref<20000x128xf32, #tpu.memory_space<hbm>>) target(%arg9 : memref<128x128xf32, #tpu.memory_space<vmem>>) offsets(%dma_start3A_19 : memref<128xi32, #tpu.memory_space<vmem>>) semaphore(%arg11 : memref<!tpu.dma_semaphore, #tpu.memory_space<semaphore_mem>>)
    %scan3A_23 = arith.constant 0 : i32
    %scan3A_24 = arith.constant 20 : i32
    %scan3A_25 = arith.addi %scan3A_23, %scan3A_24 : i32
    %scan3A_26 = arith.constant 1 : i32
    scf.for %scan3A_75 = %scan3A_23 to %scan3A_25 step %scan3A_26  : i32 {
      %mul3A_76 = arith.constant 1 : i32
      %mul3A_77 = arith.muli %scan3A_75, %mul3A_76 : i32
      %add3A = arith.constant 0 : i32
      %add3A_78 = arith.addi %add3A, %mul3A_77 : i32
      %mul3A_79 = arith.constant 2 : i32
      %mul3A_80 = arith.muli %add3A_78, %mul3A_79 : i32
      %add3A_81 = arith.constant 0 : i32
      %add3A_82 = arith.addi %mul3A_80, %add3A_81 : i32
      %dma_wait3A_83 = arith.constant 0 : i32
      %dma_wait3A_84 = tpu.memref_slice %arg6[%add3A_82, %dma_wait3A_83] : memref<40x128xi32, #tpu.memory_space<vmem>> -> memref<1x128xi32, #tpu.memory_space<vmem>>
      %dma_wait3A_85 = tpu.memref_squeeze %dma_wait3A_84 : memref<1x128xi32, #tpu.memory_space<vmem>> -> memref<128xi32, #tpu.memory_space<vmem>>
      %dma_wait3A_86 = arith.constant 0 : i32
      %dma_wait3A_87 = arith.constant 0 : i32
      %dma_wait3A_88 = tpu.memref_slice %arg2[%dma_wait3A_86, %dma_wait3A_87] : memref<20000x128xf32, #tpu.memory_space<hbm>> -> memref<20000x128xf32, #tpu.memory_space<hbm>>
      tpu.wait_indirect_dma semaphore(%arg10 : memref<!tpu.dma_semaphore, #tpu.memory_space<semaphore_mem>>) src(%dma_wait3A_88 : memref<20000x128xf32, #tpu.memory_space<hbm>>) dst(%arg8 : memref<128x128xf32, #tpu.memory_space<vmem>>)
      %dma_start3A_89 = arith.constant 0 : i32
      %dma_start3A_90 = tpu.memref_slice %arg7[%add3A_82, %dma_start3A_89] : memref<40x128xi32, #tpu.memory_space<vmem>> -> memref<1x128xi32, #tpu.memory_space<vmem>>
      %dma_start3A_91 = tpu.memref_squeeze %dma_start3A_90 : memref<1x128xi32, #tpu.memory_space<vmem>> -> memref<128xi32, #tpu.memory_space<vmem>>
      %dma_start3A_92 = arith.constant 0 : i32
      %dma_start3A_93 = arith.constant 0 : i32
      %dma_start3A_94 = tpu.memref_slice %arg14[%dma_start3A_92, %dma_start3A_93] : memref<10240x128xf32, #tpu.memory_space<vmem_shared>> -> memref<10240x128xf32, #tpu.memory_space<vmem_shared>>
      tpu.enqueue_indirect_dma source(%arg8 : memref<128x128xf32, #tpu.memory_space<vmem>>) target(%dma_start3A_94 : memref<10240x128xf32, #tpu.memory_space<vmem_shared>>) offsets(%dma_start3A_91 : memref<128xi32, #tpu.memory_space<vmem>>) semaphore(%arg12 : memref<!tpu.dma_semaphore, #tpu.memory_space<semaphore_mem>>) {add = true}
      %add3A_95 = arith.constant 2 : i32
      %add3A_96 = arith.addi %add3A_82, %add3A_95 : i32
      %lt3A = arith.constant 40 : i32
      %lt3A_97 = arith.cmpi slt, %add3A_96, %lt3A : i32
      %convert_element_type3A = arith.extui %lt3A_97 : i1 to i32
      %cond3A = arith.constant 0 : i32
      %cond3A_98 = arith.cmpi ne, %convert_element_type3A, %cond3A : i32
      scf.if %cond3A_98 {
        %dma_wait3A_122 = arith.constant 0 : i32
        %dma_wait3A_123 = tpu.memref_slice %arg7[%add3A_82, %dma_wait3A_122] : memref<40x128xi32, #tpu.memory_space<vmem>> -> memref<1x128xi32, #tpu.memory_space<vmem>>
        %dma_wait3A_124 = tpu.memref_squeeze %dma_wait3A_123 : memref<1x128xi32, #tpu.memory_space<vmem>> -> memref<128xi32, #tpu.memory_space<vmem>>
        %dma_wait3A_125 = arith.constant 0 : i32
        %dma_wait3A_126 = arith.constant 0 : i32
        %dma_wait3A_127 = tpu.memref_slice %arg14[%dma_wait3A_125, %dma_wait3A_126] : memref<10240x128xf32, #tpu.memory_space<vmem_shared>> -> memref<10240x128xf32, #tpu.memory_space<vmem_shared>>
        tpu.wait_indirect_dma semaphore(%arg12 : memref<!tpu.dma_semaphore, #tpu.memory_space<semaphore_mem>>) src(%arg8 : memref<128x128xf32, #tpu.memory_space<vmem>>) dst(%dma_wait3A_127 : memref<10240x128xf32, #tpu.memory_space<vmem_shared>>)
        %dma_start3A_128 = arith.constant 0 : i32
        %dma_start3A_129 = tpu.memref_slice %arg6[%add3A_96, %dma_start3A_128] : memref<40x128xi32, #tpu.memory_space<vmem>> -> memref<1x128xi32, #tpu.memory_space<vmem>>
        %dma_start3A_130 = tpu.memref_squeeze %dma_start3A_129 : memref<1x128xi32, #tpu.memory_space<vmem>> -> memref<128xi32, #tpu.memory_space<vmem>>
        %dma_start3A_131 = arith.constant 0 : i32
        %dma_start3A_132 = arith.constant 0 : i32
        %dma_start3A_133 = tpu.memref_slice %arg2[%dma_start3A_131, %dma_start3A_132] : memref<20000x128xf32, #tpu.memory_space<hbm>> -> memref<20000x128xf32, #tpu.memory_space<hbm>>
        tpu.enqueue_indirect_dma source(%dma_start3A_133 : memref<20000x128xf32, #tpu.memory_space<hbm>>) target(%arg8 : memref<128x128xf32, #tpu.memory_space<vmem>>) offsets(%dma_start3A_130 : memref<128xi32, #tpu.memory_space<vmem>>) semaphore(%arg10 : memref<!tpu.dma_semaphore, #tpu.memory_space<semaphore_mem>>)
      } else {
      }
      %mul3A_99 = arith.constant 2 : i32
      %mul3A_100 = arith.muli %add3A_78, %mul3A_99 : i32
      %add3A_101 = arith.constant 1 : i32
      %add3A_102 = arith.addi %mul3A_100, %add3A_101 : i32
      %dma_wait3A_103 = arith.constant 0 : i32
      %dma_wait3A_104 = tpu.memref_slice %arg6[%add3A_102, %dma_wait3A_103] : memref<40x128xi32, #tpu.memory_space<vmem>> -> memref<1x128xi32, #tpu.memory_space<vmem>>
      %dma_wait3A_105 = tpu.memref_squeeze %dma_wait3A_104 : memref<1x128xi32, #tpu.memory_space<vmem>> -> memref<128xi32, #tpu.memory_space<vmem>>
      %dma_wait3A_106 = arith.constant 0 : i32
      %dma_wait3A_107 = arith.constant 0 : i32
      %dma_wait3A_108 = tpu.memref_slice %arg2[%dma_wait3A_106, %dma_wait3A_107] : memref<20000x128xf32, #tpu.memory_space<hbm>> -> memref<20000x128xf32, #tpu.memory_space<hbm>>
      tpu.wait_indirect_dma semaphore(%arg11 : memref<!tpu.dma_semaphore, #tpu.memory_space<semaphore_mem>>) src(%dma_wait3A_108 : memref<20000x128xf32, #tpu.memory_space<hbm>>) dst(%arg9 : memref<128x128xf32, #tpu.memory_space<vmem>>)
      %dma_start3A_109 = arith.constant 0 : i32
      %dma_start3A_110 = tpu.memref_slice %arg7[%add3A_102, %dma_start3A_109] : memref<40x128xi32, #tpu.memory_space<vmem>> -> memref<1x128xi32, #tpu.memory_space<vmem>>
      %dma_start3A_111 = tpu.memref_squeeze %dma_start3A_110 : memref<1x128xi32, #tpu.memory_space<vmem>> -> memref<128xi32, #tpu.memory_space<vmem>>
      %dma_start3A_112 = arith.constant 0 : i32
      %dma_start3A_113 = arith.constant 0 : i32
      %dma_start3A_114 = tpu.memref_slice %arg14[%dma_start3A_112, %dma_start3A_113] : memref<10240x128xf32, #tpu.memory_space<vmem_shared>> -> memref<10240x128xf32, #tpu.memory_space<vmem_shared>>
      tpu.enqueue_indirect_dma source(%arg9 : memref<128x128xf32, #tpu.memory_space<vmem>>) target(%dma_start3A_114 : memref<10240x128xf32, #tpu.memory_space<vmem_shared>>) offsets(%dma_start3A_111 : memref<128xi32, #tpu.memory_space<vmem>>) semaphore(%arg13 : memref<!tpu.dma_semaphore, #tpu.memory_space<semaphore_mem>>) {add = true}
      %add3A_115 = arith.constant 2 : i32
      %add3A_116 = arith.addi %add3A_102, %add3A_115 : i32
      %lt3A_117 = arith.constant 40 : i32
      %lt3A_118 = arith.cmpi slt, %add3A_116, %lt3A_117 : i32
      %convert_element_type3A_119 = arith.extui %lt3A_118 : i1 to i32
      %cond3A_120 = arith.constant 0 : i32
      %cond3A_121 = arith.cmpi ne, %convert_element_type3A_119, %cond3A_120 : i32
      scf.if %cond3A_121 {
        %dma_wait3A_122 = arith.constant 0 : i32
        %dma_wait3A_123 = tpu.memref_slice %arg7[%add3A_102, %dma_wait3A_122] : memref<40x128xi32, #tpu.memory_space<vmem>> -> memref<1x128xi32, #tpu.memory_space<vmem>>
        %dma_wait3A_124 = tpu.memref_squeeze %dma_wait3A_123 : memref<1x128xi32, #tpu.memory_space<vmem>> -> memref<128xi32, #tpu.memory_space<vmem>>
        %dma_wait3A_125 = arith.constant 0 : i32
        %dma_wait3A_126 = arith.constant 0 : i32
        %dma_wait3A_127 = tpu.memref_slice %arg14[%dma_wait3A_125, %dma_wait3A_126] : memref<10240x128xf32, #tpu.memory_space<vmem_shared>> -> memref<10240x128xf32, #tpu.memory_space<vmem_shared>>
        tpu.wait_indirect_dma semaphore(%arg13 : memref<!tpu.dma_semaphore, #tpu.memory_space<semaphore_mem>>) src(%arg9 : memref<128x128xf32, #tpu.memory_space<vmem>>) dst(%dma_wait3A_127 : memref<10240x128xf32, #tpu.memory_space<vmem_shared>>)
        %dma_start3A_128 = arith.constant 0 : i32
        %dma_start3A_129 = tpu.memref_slice %arg6[%add3A_116, %dma_start3A_128] : memref<40x128xi32, #tpu.memory_space<vmem>> -> memref<1x128xi32, #tpu.memory_space<vmem>>
        %dma_start3A_130 = tpu.memref_squeeze %dma_start3A_129 : memref<1x128xi32, #tpu.memory_space<vmem>> -> memref<128xi32, #tpu.memory_space<vmem>>
        %dma_start3A_131 = arith.constant 0 : i32
        %dma_start3A_132 = arith.constant 0 : i32
        %dma_start3A_133 = tpu.memref_slice %arg2[%dma_start3A_131, %dma_start3A_132] : memref<20000x128xf32, #tpu.memory_space<hbm>> -> memref<20000x128xf32, #tpu.memory_space<hbm>>
        tpu.enqueue_indirect_dma source(%dma_start3A_133 : memref<20000x128xf32, #tpu.memory_space<hbm>>) target(%arg9 : memref<128x128xf32, #tpu.memory_space<vmem>>) offsets(%dma_start3A_130 : memref<128xi32, #tpu.memory_space<vmem>>) semaphore(%arg11 : memref<!tpu.dma_semaphore, #tpu.memory_space<semaphore_mem>>)
      } else {
      }
    }
    %scan3A_27 = arith.constant 20 : i32
    %dma_wait3A = arith.constant 38 : i32
    %dma_wait3A_28 = arith.constant 0 : i32
    %dma_wait3A_29 = tpu.memref_slice %arg7[%dma_wait3A, %dma_wait3A_28] : memref<40x128xi32, #tpu.memory_space<vmem>> -> memref<1x128xi32, #tpu.memory_space<vmem>>
    %dma_wait3A_30 = tpu.memref_squeeze %dma_wait3A_29 : memref<1x128xi32, #tpu.memory_space<vmem>> -> memref<128xi32, #tpu.memory_space<vmem>>
    %dma_wait3A_31 = arith.constant 0 : i32
    %dma_wait3A_32 = arith.constant 0 : i32
    %dma_wait3A_33 = tpu.memref_slice %arg14[%dma_wait3A_31, %dma_wait3A_32] : memref<10240x128xf32, #tpu.memory_space<vmem_shared>> -> memref<10240x128xf32, #tpu.memory_space<vmem_shared>>
    tpu.wait_indirect_dma semaphore(%arg12 : memref<!tpu.dma_semaphore, #tpu.memory_space<semaphore_mem>>) src(%arg8 : memref<128x128xf32, #tpu.memory_space<vmem>>) dst(%dma_wait3A_33 : memref<10240x128xf32, #tpu.memory_space<vmem_shared>>)
    %dma_wait3A_34 = arith.constant 39 : i32
    %dma_wait3A_35 = arith.constant 0 : i32
    %dma_wait3A_36 = tpu.memref_slice %arg7[%dma_wait3A_34, %dma_wait3A_35] : memref<40x128xi32, #tpu.memory_space<vmem>> -> memref<1x128xi32, #tpu.memory_space<vmem>>
    %dma_wait3A_37 = tpu.memref_squeeze %dma_wait3A_36 : memref<1x128xi32, #tpu.memory_space<vmem>> -> memref<128xi32, #tpu.memory_space<vmem>>
    %dma_wait3A_38 = arith.constant 0 : i32
    %dma_wait3A_39 = arith.constant 0 : i32
    %dma_wait3A_40 = tpu.memref_slice %arg14[%dma_wait3A_38, %dma_wait3A_39] : memref<10240x128xf32, #tpu.memory_space<vmem_shared>> -> memref<10240x128xf32, #tpu.memory_space<vmem_shared>>
    tpu.wait_indirect_dma semaphore(%arg13 : memref<!tpu.dma_semaphore, #tpu.memory_space<semaphore_mem>>) src(%arg9 : memref<128x128xf32, #tpu.memory_space<vmem>>) dst(%dma_wait3A_40 : memref<10240x128xf32, #tpu.memory_space<vmem_shared>>)
    "tpu.region"() ({
      %run_scoped3A = tpu.sem_alloc : memref<!tpu.dma_semaphore, #tpu.memory_space<semaphore_mem>>
      %dma_start3A_75 = arith.constant 40 : i32
      %dma_start3A_76 = arith.constant 0 : i32
      %dma_start3A_77 = tpu.memref_slice %arg3[%arg0, %arg1, %dma_start3A_75, %dma_start3A_76] : memref<2x16x80x128xi32, #tpu.memory_space<hbm>> -> memref<1x1x40x128xi32, #tpu.memory_space<hbm>>
      %dma_start3A_78 = tpu.memref_squeeze %dma_start3A_77 : memref<1x1x40x128xi32, #tpu.memory_space<hbm>> -> memref<40x128xi32, #tpu.memory_space<hbm>>
      %dma_start3A_79 = arith.constant 40 : i32
      %dma_start3A_80 = arith.constant 0 : i32
      %dma_start3A_81 = tpu.memref_slice %arg3[%arg0, %arg1, %dma_start3A_79, %dma_start3A_80] : memref<2x16x80x128xi32, #tpu.memory_space<hbm>> -> memref<1x1x40x128xi32, #tpu.memory_space<hbm>>
      %dma_start3A_82 = tpu.memref_squeeze %dma_start3A_81 : memref<1x1x40x128xi32, #tpu.memory_space<hbm>> -> memref<40x128xi32, #tpu.memory_space<hbm>>
      tpu.enqueue_dma source(%dma_start3A_82 : memref<40x128xi32, #tpu.memory_space<hbm>>) target(%arg6 : memref<40x128xi32, #tpu.memory_space<vmem>>) target_semaphore(%run_scoped3A : memref<!tpu.dma_semaphore, #tpu.memory_space<semaphore_mem>>)
      %dma_wait3A_83 = arith.constant 40 : i32
      %dma_wait3A_84 = arith.constant 0 : i32
      %dma_wait3A_85 = tpu.memref_slice %arg3[%arg0, %arg1, %dma_wait3A_83, %dma_wait3A_84] : memref<2x16x80x128xi32, #tpu.memory_space<hbm>> -> memref<1x1x40x128xi32, #tpu.memory_space<hbm>>
      %dma_wait3A_86 = tpu.memref_squeeze %dma_wait3A_85 : memref<1x1x40x128xi32, #tpu.memory_space<hbm>> -> memref<40x128xi32, #tpu.memory_space<hbm>>
      %dma_wait3A_87 = arith.constant 40 : i32
      %dma_wait3A_88 = arith.constant 0 : i32
      %dma_wait3A_89 = tpu.memref_slice %arg3[%arg0, %arg1, %dma_wait3A_87, %dma_wait3A_88] : memref<2x16x80x128xi32, #tpu.memory_space<hbm>> -> memref<1x1x40x128xi32, #tpu.memory_space<hbm>>
      %dma_wait3A_90 = tpu.memref_squeeze %dma_wait3A_89 : memref<1x1x40x128xi32, #tpu.memory_space<hbm>> -> memref<40x128xi32, #tpu.memory_space<hbm>>
      tpu.wait_dma2 semaphore(%run_scoped3A : memref<!tpu.dma_semaphore, #tpu.memory_space<semaphore_mem>>) src(%dma_wait3A_90 : memref<40x128xi32, #tpu.memory_space<hbm>>) dst(%arg6 : memref<40x128xi32, #tpu.memory_space<vmem>>)
      tpu.yield
    }) : () -> ()
    "tpu.region"() ({
      %run_scoped3A = tpu.sem_alloc : memref<!tpu.dma_semaphore, #tpu.memory_space<semaphore_mem>>
      %dma_start3A_75 = arith.constant 40 : i32
      %dma_start3A_76 = arith.constant 0 : i32
      %dma_start3A_77 = tpu.memref_slice %arg4[%arg0, %arg1, %dma_start3A_75, %dma_start3A_76] : memref<2x16x80x128xi32, #tpu.memory_space<hbm>> -> memref<1x1x40x128xi32, #tpu.memory_space<hbm>>
      %dma_start3A_78 = tpu.memref_squeeze %dma_start3A_77 : memref<1x1x40x128xi32, #tpu.memory_space<hbm>> -> memref<40x128xi32, #tpu.memory_space<hbm>>
      %dma_start3A_79 = arith.constant 40 : i32
      %dma_start3A_80 = arith.constant 0 : i32
      %dma_start3A_81 = tpu.memref_slice %arg4[%arg0, %arg1, %dma_start3A_79, %dma_start3A_80] : memref<2x16x80x128xi32, #tpu.memory_space<hbm>> -> memref<1x1x40x128xi32, #tpu.memory_space<hbm>>
      %dma_start3A_82 = tpu.memref_squeeze %dma_start3A_81 : memref<1x1x40x128xi32, #tpu.memory_space<hbm>> -> memref<40x128xi32, #tpu.memory_space<hbm>>
      tpu.enqueue_dma source(%dma_start3A_82 : memref<40x128xi32, #tpu.memory_space<hbm>>) target(%arg7 : memref<40x128xi32, #tpu.memory_space<vmem>>) target_semaphore(%run_scoped3A : memref<!tpu.dma_semaphore, #tpu.memory_space<semaphore_mem>>)
      %dma_wait3A_83 = arith.constant 40 : i32
      %dma_wait3A_84 = arith.constant 0 : i32
      %dma_wait3A_85 = tpu.memref_slice %arg4[%arg0, %arg1, %dma_wait3A_83, %dma_wait3A_84] : memref<2x16x80x128xi32, #tpu.memory_space<hbm>> -> memref<1x1x40x128xi32, #tpu.memory_space<hbm>>
      %dma_wait3A_86 = tpu.memref_squeeze %dma_wait3A_85 : memref<1x1x40x128xi32, #tpu.memory_space<hbm>> -> memref<40x128xi32, #tpu.memory_space<hbm>>
      %dma_wait3A_87 = arith.constant 40 : i32
      %dma_wait3A_88 = arith.constant 0 : i32
      %dma_wait3A_89 = tpu.memref_slice %arg4[%arg0, %arg1, %dma_wait3A_87, %dma_wait3A_88] : memref<2x16x80x128xi32, #tpu.memory_space<hbm>> -> memref<1x1x40x128xi32, #tpu.memory_space<hbm>>
      %dma_wait3A_90 = tpu.memref_squeeze %dma_wait3A_89 : memref<1x1x40x128xi32, #tpu.memory_space<hbm>> -> memref<40x128xi32, #tpu.memory_space<hbm>>
      tpu.wait_dma2 semaphore(%run_scoped3A : memref<!tpu.dma_semaphore, #tpu.memory_space<semaphore_mem>>) src(%dma_wait3A_90 : memref<40x128xi32, #tpu.memory_space<hbm>>) dst(%arg7 : memref<40x128xi32, #tpu.memory_space<vmem>>)
      tpu.yield
    }) : () -> ()
    %dma_start3A_41 = arith.constant 0 : i32
    %dma_start3A_42 = arith.constant 0 : i32
    %dma_start3A_43 = tpu.memref_slice %arg6[%dma_start3A_41, %dma_start3A_42] : memref<40x128xi32, #tpu.memory_space<vmem>> -> memref<1x128xi32, #tpu.memory_space<vmem>>
    %dma_start3A_44 = tpu.memref_squeeze %dma_start3A_43 : memref<1x128xi32, #tpu.memory_space<vmem>> -> memref<128xi32, #tpu.memory_space<vmem>>
    %dma_start3A_45 = arith.constant 0 : i32
    %dma_start3A_46 = arith.constant 0 : i32
    %dma_start3A_47 = tpu.memref_slice %arg2[%dma_start3A_45, %dma_start3A_46] : memref<20000x128xf32, #tpu.memory_space<hbm>> -> memref<20000x128xf32, #tpu.memory_space<hbm>>
    tpu.enqueue_indirect_dma source(%dma_start3A_47 : memref<20000x128xf32, #tpu.memory_space<hbm>>) target(%arg8 : memref<128x128xf32, #tpu.memory_space<vmem>>) offsets(%dma_start3A_44 : memref<128xi32, #tpu.memory_space<vmem>>) semaphore(%arg10 : memref<!tpu.dma_semaphore, #tpu.memory_space<semaphore_mem>>)
    %dma_start3A_48 = arith.constant 1 : i32
    %dma_start3A_49 = arith.constant 0 : i32
    %dma_start3A_50 = tpu.memref_slice %arg6[%dma_start3A_48, %dma_start3A_49] : memref<40x128xi32, #tpu.memory_space<vmem>> -> memref<1x128xi32, #tpu.memory_space<vmem>>
    %dma_start3A_51 = tpu.memref_squeeze %dma_start3A_50 : memref<1x128xi32, #tpu.memory_space<vmem>> -> memref<128xi32, #tpu.memory_space<vmem>>
    %dma_start3A_52 = arith.constant 0 : i32
    %dma_start3A_53 = arith.constant 0 : i32
    %dma_start3A_54 = tpu.memref_slice %arg2[%dma_start3A_52, %dma_start3A_53] : memref<20000x128xf32, #tpu.memory_space<hbm>> -> memref<20000x128xf32, #tpu.memory_space<hbm>>
    tpu.enqueue_indirect_dma source(%dma_start3A_54 : memref<20000x128xf32, #tpu.memory_space<hbm>>) target(%arg9 : memref<128x128xf32, #tpu.memory_space<vmem>>) offsets(%dma_start3A_51 : memref<128xi32, #tpu.memory_space<vmem>>) semaphore(%arg11 : memref<!tpu.dma_semaphore, #tpu.memory_space<semaphore_mem>>)
    %scan3A_55 = arith.constant 0 : i32
    %scan3A_56 = arith.constant 20 : i32
    %scan3A_57 = arith.addi %scan3A_55, %scan3A_56 : i32
    %scan3A_58 = arith.constant 1 : i32
    scf.for %scan3A_75 = %scan3A_55 to %scan3A_57 step %scan3A_58  : i32 {
      %mul3A_76 = arith.constant 1 : i32
      %mul3A_77 = arith.muli %scan3A_75, %mul3A_76 : i32
      %add3A = arith.constant 0 : i32
      %add3A_78 = arith.addi %add3A, %mul3A_77 : i32
      %mul3A_79 = arith.constant 2 : i32
      %mul3A_80 = arith.muli %add3A_78, %mul3A_79 : i32
      %add3A_81 = arith.constant 0 : i32
      %add3A_82 = arith.addi %mul3A_80, %add3A_81 : i32
      %dma_wait3A_83 = arith.constant 0 : i32
      %dma_wait3A_84 = tpu.memref_slice %arg6[%add3A_82, %dma_wait3A_83] : memref<40x128xi32, #tpu.memory_space<vmem>> -> memref<1x128xi32, #tpu.memory_space<vmem>>
      %dma_wait3A_85 = tpu.memref_squeeze %dma_wait3A_84 : memref<1x128xi32, #tpu.memory_space<vmem>> -> memref<128xi32, #tpu.memory_space<vmem>>
      %dma_wait3A_86 = arith.constant 0 : i32
      %dma_wait3A_87 = arith.constant 0 : i32
      %dma_wait3A_88 = tpu.memref_slice %arg2[%dma_wait3A_86, %dma_wait3A_87] : memref<20000x128xf32, #tpu.memory_space<hbm>> -> memref<20000x128xf32, #tpu.memory_space<hbm>>
      tpu.wait_indirect_dma semaphore(%arg10 : memref<!tpu.dma_semaphore, #tpu.memory_space<semaphore_mem>>) src(%dma_wait3A_88 : memref<20000x128xf32, #tpu.memory_space<hbm>>) dst(%arg8 : memref<128x128xf32, #tpu.memory_space<vmem>>)
      %dma_start3A_89 = arith.constant 0 : i32
      %dma_start3A_90 = tpu.memref_slice %arg7[%add3A_82, %dma_start3A_89] : memref<40x128xi32, #tpu.memory_space<vmem>> -> memref<1x128xi32, #tpu.memory_space<vmem>>
      %dma_start3A_91 = tpu.memref_squeeze %dma_start3A_90 : memref<1x128xi32, #tpu.memory_space<vmem>> -> memref<128xi32, #tpu.memory_space<vmem>>
      %dma_start3A_92 = arith.constant 0 : i32
      %dma_start3A_93 = arith.constant 0 : i32
      %dma_start3A_94 = tpu.memref_slice %arg14[%dma_start3A_92, %dma_start3A_93] : memref<10240x128xf32, #tpu.memory_space<vmem_shared>> -> memref<10240x128xf32, #tpu.memory_space<vmem_shared>>
      tpu.enqueue_indirect_dma source(%arg8 : memref<128x128xf32, #tpu.memory_space<vmem>>) target(%dma_start3A_94 : memref<10240x128xf32, #tpu.memory_space<vmem_shared>>) offsets(%dma_start3A_91 : memref<128xi32, #tpu.memory_space<vmem>>) semaphore(%arg12 : memref<!tpu.dma_semaphore, #tpu.memory_space<semaphore_mem>>) {add = true}
      %add3A_95 = arith.constant 2 : i32
      %add3A_96 = arith.addi %add3A_82, %add3A_95 : i32
      %lt3A = arith.constant 40 : i32
      %lt3A_97 = arith.cmpi slt, %add3A_96, %lt3A : i32
      %convert_element_type3A = arith.extui %lt3A_97 : i1 to i32
      %cond3A = arith.constant 0 : i32
      %cond3A_98 = arith.cmpi ne, %convert_element_type3A, %cond3A : i32
      scf.if %cond3A_98 {
        %dma_wait3A_122 = arith.constant 0 : i32
        %dma_wait3A_123 = tpu.memref_slice %arg7[%add3A_82, %dma_wait3A_122] : memref<40x128xi32, #tpu.memory_space<vmem>> -> memref<1x128xi32, #tpu.memory_space<vmem>>
        %dma_wait3A_124 = tpu.memref_squeeze %dma_wait3A_123 : memref<1x128xi32, #tpu.memory_space<vmem>> -> memref<128xi32, #tpu.memory_space<vmem>>
        %dma_wait3A_125 = arith.constant 0 : i32
        %dma_wait3A_126 = arith.constant 0 : i32
        %dma_wait3A_127 = tpu.memref_slice %arg14[%dma_wait3A_125, %dma_wait3A_126] : memref<10240x128xf32, #tpu.memory_space<vmem_shared>> -> memref<10240x128xf32, #tpu.memory_space<vmem_shared>>
        tpu.wait_indirect_dma semaphore(%arg12 : memref<!tpu.dma_semaphore, #tpu.memory_space<semaphore_mem>>) src(%arg8 : memref<128x128xf32, #tpu.memory_space<vmem>>) dst(%dma_wait3A_127 : memref<10240x128xf32, #tpu.memory_space<vmem_shared>>)
        %dma_start3A_128 = arith.constant 0 : i32
        %dma_start3A_129 = tpu.memref_slice %arg6[%add3A_96, %dma_start3A_128] : memref<40x128xi32, #tpu.memory_space<vmem>> -> memref<1x128xi32, #tpu.memory_space<vmem>>
        %dma_start3A_130 = tpu.memref_squeeze %dma_start3A_129 : memref<1x128xi32, #tpu.memory_space<vmem>> -> memref<128xi32, #tpu.memory_space<vmem>>
        %dma_start3A_131 = arith.constant 0 : i32
        %dma_start3A_132 = arith.constant 0 : i32
        %dma_start3A_133 = tpu.memref_slice %arg2[%dma_start3A_131, %dma_start3A_132] : memref<20000x128xf32, #tpu.memory_space<hbm>> -> memref<20000x128xf32, #tpu.memory_space<hbm>>
        tpu.enqueue_indirect_dma source(%dma_start3A_133 : memref<20000x128xf32, #tpu.memory_space<hbm>>) target(%arg8 : memref<128x128xf32, #tpu.memory_space<vmem>>) offsets(%dma_start3A_130 : memref<128xi32, #tpu.memory_space<vmem>>) semaphore(%arg10 : memref<!tpu.dma_semaphore, #tpu.memory_space<semaphore_mem>>)
      } else {
      }
      %mul3A_99 = arith.constant 2 : i32
      %mul3A_100 = arith.muli %add3A_78, %mul3A_99 : i32
      %add3A_101 = arith.constant 1 : i32
      %add3A_102 = arith.addi %mul3A_100, %add3A_101 : i32
      %dma_wait3A_103 = arith.constant 0 : i32
      %dma_wait3A_104 = tpu.memref_slice %arg6[%add3A_102, %dma_wait3A_103] : memref<40x128xi32, #tpu.memory_space<vmem>> -> memref<1x128xi32, #tpu.memory_space<vmem>>
      %dma_wait3A_105 = tpu.memref_squeeze %dma_wait3A_104 : memref<1x128xi32, #tpu.memory_space<vmem>> -> memref<128xi32, #tpu.memory_space<vmem>>
      %dma_wait3A_106 = arith.constant 0 : i32
      %dma_wait3A_107 = arith.constant 0 : i32
      %dma_wait3A_108 = tpu.memref_slice %arg2[%dma_wait3A_106, %dma_wait3A_107] : memref<20000x128xf32, #tpu.memory_space<hbm>> -> memref<20000x128xf32, #tpu.memory_space<hbm>>
      tpu.wait_indirect_dma semaphore(%arg11 : memref<!tpu.dma_semaphore, #tpu.memory_space<semaphore_mem>>) src(%dma_wait3A_108 : memref<20000x128xf32, #tpu.memory_space<hbm>>) dst(%arg9 : memref<128x128xf32, #tpu.memory_space<vmem>>)
      %dma_start3A_109 = arith.constant 0 : i32
      %dma_start3A_110 = tpu.memref_slice %arg7[%add3A_102, %dma_start3A_109] : memref<40x128xi32, #tpu.memory_space<vmem>> -> memref<1x128xi32, #tpu.memory_space<vmem>>
      %dma_start3A_111 = tpu.memref_squeeze %dma_start3A_110 : memref<1x128xi32, #tpu.memory_space<vmem>> -> memref<128xi32, #tpu.memory_space<vmem>>
      %dma_start3A_112 = arith.constant 0 : i32
      %dma_start3A_113 = arith.constant 0 : i32
      %dma_start3A_114 = tpu.memref_slice %arg14[%dma_start3A_112, %dma_start3A_113] : memref<10240x128xf32, #tpu.memory_space<vmem_shared>> -> memref<10240x128xf32, #tpu.memory_space<vmem_shared>>
      tpu.enqueue_indirect_dma source(%arg9 : memref<128x128xf32, #tpu.memory_space<vmem>>) target(%dma_start3A_114 : memref<10240x128xf32, #tpu.memory_space<vmem_shared>>) offsets(%dma_start3A_111 : memref<128xi32, #tpu.memory_space<vmem>>) semaphore(%arg13 : memref<!tpu.dma_semaphore, #tpu.memory_space<semaphore_mem>>) {add = true}
      %add3A_115 = arith.constant 2 : i32
      %add3A_116 = arith.addi %add3A_102, %add3A_115 : i32
      %lt3A_117 = arith.constant 40 : i32
      %lt3A_118 = arith.cmpi slt, %add3A_116, %lt3A_117 : i32
      %convert_element_type3A_119 = arith.extui %lt3A_118 : i1 to i32
      %cond3A_120 = arith.constant 0 : i32
      %cond3A_121 = arith.cmpi ne, %convert_element_type3A_119, %cond3A_120 : i32
      scf.if %cond3A_121 {
        %dma_wait3A_122 = arith.constant 0 : i32
        %dma_wait3A_123 = tpu.memref_slice %arg7[%add3A_102, %dma_wait3A_122] : memref<40x128xi32, #tpu.memory_space<vmem>> -> memref<1x128xi32, #tpu.memory_space<vmem>>
        %dma_wait3A_124 = tpu.memref_squeeze %dma_wait3A_123 : memref<1x128xi32, #tpu.memory_space<vmem>> -> memref<128xi32, #tpu.memory_space<vmem>>
        %dma_wait3A_125 = arith.constant 0 : i32
        %dma_wait3A_126 = arith.constant 0 : i32
        %dma_wait3A_127 = tpu.memref_slice %arg14[%dma_wait3A_125, %dma_wait3A_126] : memref<10240x128xf32, #tpu.memory_space<vmem_shared>> -> memref<10240x128xf32, #tpu.memory_space<vmem_shared>>
        tpu.wait_indirect_dma semaphore(%arg13 : memref<!tpu.dma_semaphore, #tpu.memory_space<semaphore_mem>>) src(%arg9 : memref<128x128xf32, #tpu.memory_space<vmem>>) dst(%dma_wait3A_127 : memref<10240x128xf32, #tpu.memory_space<vmem_shared>>)
        %dma_start3A_128 = arith.constant 0 : i32
        %dma_start3A_129 = tpu.memref_slice %arg6[%add3A_116, %dma_start3A_128] : memref<40x128xi32, #tpu.memory_space<vmem>> -> memref<1x128xi32, #tpu.memory_space<vmem>>
        %dma_start3A_130 = tpu.memref_squeeze %dma_start3A_129 : memref<1x128xi32, #tpu.memory_space<vmem>> -> memref<128xi32, #tpu.memory_space<vmem>>
        %dma_start3A_131 = arith.constant 0 : i32
        %dma_start3A_132 = arith.constant 0 : i32
        %dma_start3A_133 = tpu.memref_slice %arg2[%dma_start3A_131, %dma_start3A_132] : memref<20000x128xf32, #tpu.memory_space<hbm>> -> memref<20000x128xf32, #tpu.memory_space<hbm>>
        tpu.enqueue_indirect_dma source(%dma_start3A_133 : memref<20000x128xf32, #tpu.memory_space<hbm>>) target(%arg9 : memref<128x128xf32, #tpu.memory_space<vmem>>) offsets(%dma_start3A_130 : memref<128xi32, #tpu.memory_space<vmem>>) semaphore(%arg11 : memref<!tpu.dma_semaphore, #tpu.memory_space<semaphore_mem>>)
      } else {
      }
    }
    %scan3A_59 = arith.constant 20 : i32
    %dma_wait3A_60 = arith.constant 38 : i32
    %dma_wait3A_61 = arith.constant 0 : i32
    %dma_wait3A_62 = tpu.memref_slice %arg7[%dma_wait3A_60, %dma_wait3A_61] : memref<40x128xi32, #tpu.memory_space<vmem>> -> memref<1x128xi32, #tpu.memory_space<vmem>>
    %dma_wait3A_63 = tpu.memref_squeeze %dma_wait3A_62 : memref<1x128xi32, #tpu.memory_space<vmem>> -> memref<128xi32, #tpu.memory_space<vmem>>
    %dma_wait3A_64 = arith.constant 0 : i32
    %dma_wait3A_65 = arith.constant 0 : i32
    %dma_wait3A_66 = tpu.memref_slice %arg14[%dma_wait3A_64, %dma_wait3A_65] : memref<10240x128xf32, #tpu.memory_space<vmem_shared>> -> memref<10240x128xf32, #tpu.memory_space<vmem_shared>>
    tpu.wait_indirect_dma semaphore(%arg12 : memref<!tpu.dma_semaphore, #tpu.memory_space<semaphore_mem>>) src(%arg8 : memref<128x128xf32, #tpu.memory_space<vmem>>) dst(%dma_wait3A_66 : memref<10240x128xf32, #tpu.memory_space<vmem_shared>>)
    %dma_wait3A_67 = arith.constant 39 : i32
    %dma_wait3A_68 = arith.constant 0 : i32
    %dma_wait3A_69 = tpu.memref_slice %arg7[%dma_wait3A_67, %dma_wait3A_68] : memref<40x128xi32, #tpu.memory_space<vmem>> -> memref<1x128xi32, #tpu.memory_space<vmem>>
    %dma_wait3A_70 = tpu.memref_squeeze %dma_wait3A_69 : memref<1x128xi32, #tpu.memory_space<vmem>> -> memref<128xi32, #tpu.memory_space<vmem>>
    %dma_wait3A_71 = arith.constant 0 : i32
    %dma_wait3A_72 = arith.constant 0 : i32
    %dma_wait3A_73 = tpu.memref_slice %arg14[%dma_wait3A_71, %dma_wait3A_72] : memref<10240x128xf32, #tpu.memory_space<vmem_shared>> -> memref<10240x128xf32, #tpu.memory_space<vmem_shared>>
    tpu.wait_indirect_dma semaphore(%arg13 : memref<!tpu.dma_semaphore, #tpu.memory_space<semaphore_mem>>) src(%arg9 : memref<128x128xf32, #tpu.memory_space<vmem>>) dst(%dma_wait3A_73 : memref<10240x128xf32, #tpu.memory_space<vmem_shared>>)
    %barrier3A_74 = arith.constant 0 : index
    tpu.barrier barrier_id(%barrier3A_74)
    "tpu.region"() ({
      %run_scoped3A = tpu.sem_alloc : memref<!tpu.dma_semaphore, #tpu.memory_space<semaphore_mem>>
      %dma_start3A_75 = arith.constant 0 : i32
      %dma_start3A_76 = tpu.memref_slice %arg5[%arg0, %mul3A_0, %dma_start3A_75] : memref<2x10240x128xf32, #tpu.memory_space<hbm>> -> memref<1x640x128xf32, #tpu.memory_space<hbm>>
      %dma_start3A_77 = tpu.memref_squeeze %dma_start3A_76 : memref<1x640x128xf32, #tpu.memory_space<hbm>> -> memref<640x128xf32, #tpu.memory_space<hbm>>
      %dma_start3A_78 = arith.constant 0 : i32
      %dma_start3A_79 = tpu.memref_slice %arg14[%mul3A_0, %dma_start3A_78] : memref<10240x128xf32, #tpu.memory_space<vmem_shared>> -> memref<640x128xf32, #tpu.memory_space<vmem_shared>>
      tpu.enqueue_dma source(%dma_start3A_79 : memref<640x128xf32, #tpu.memory_space<vmem_shared>>) target(%dma_start3A_77 : memref<640x128xf32, #tpu.memory_space<hbm>>) target_semaphore(%run_scoped3A : memref<!tpu.dma_semaphore, #tpu.memory_space<semaphore_mem>>)
      %dma_wait3A_80 = arith.constant 0 : i32
      %dma_wait3A_81 = tpu.memref_slice %arg5[%arg0, %mul3A_0, %dma_wait3A_80] : memref<2x10240x128xf32, #tpu.memory_space<hbm>> -> memref<1x640x128xf32, #tpu.memory_space<hbm>>
      %dma_wait3A_82 = tpu.memref_squeeze %dma_wait3A_81 : memref<1x640x128xf32, #tpu.memory_space<hbm>> -> memref<640x128xf32, #tpu.memory_space<hbm>>
      %dma_wait3A_83 = arith.constant 0 : i32
      %dma_wait3A_84 = tpu.memref_slice %arg14[%mul3A_0, %dma_wait3A_83] : memref<10240x128xf32, #tpu.memory_space<vmem_shared>> -> memref<640x128xf32, #tpu.memory_space<vmem_shared>>
      tpu.wait_dma2 semaphore(%run_scoped3A : memref<!tpu.dma_semaphore, #tpu.memory_space<semaphore_mem>>) src(%dma_wait3A_84 : memref<640x128xf32, #tpu.memory_space<vmem_shared>>) dst(%dma_wait3A_82 : memref<640x128xf32, #tpu.memory_space<hbm>>)
      tpu.yield
    }) : () -> ()
    return
  }
}

module attributes {stable_mosaic.version = 14 : i64} {
  func.func @body(%arg0: i32, %arg1: memref<1000x256xf32, #tpu.memory_space<vmem>>, %arg2: memref<256x256xf32, #tpu.memory_space<vmem>>, %arg3: memref<2x1000x128xf32, #tpu.memory_space<vmem>>) attributes {dimension_semantics = [#tpu.dimension_semantics<arbitrary>], iteration_bounds = array<i64: 10>, scalar_prefetch = 0 : i64, scratch_operands = 0 : i64, tpu.core_type = #tpu.core_type<tc>, window_params = [{transform_indices = @transform_0, window_bounds = array<i64: 1000, 256>}, {pipeline_mode = #tpu.pipeline_mode<synchronous>, transform_indices = @transform_1, window_bounds = array<i64: 256, 256>}, {transform_indices = @transform_2, window_bounds = array<i64: 2, 1000, 128>}]} {
    %get3A = arith.constant 0 : index
    %get3A_0 = arith.constant 0 : index
    %get3A_1 = vector.load %arg1[%get3A, %get3A_0] : memref<1000x256xf32, #tpu.memory_space<vmem>>, vector<1000x256xf32>
    %get3A_2 = arith.constant 0 : index
    %get3A_3 = arith.constant 0 : index
    %get3A_4 = vector.load %arg2[%get3A_2, %get3A_3] : memref<256x256xf32, #tpu.memory_space<vmem>>, vector<256x256xf32>
    %dot_general3A = arith.constant dense<0.000000e+00> : vector<1000x256xf32>
    %dot_general3A_5 = tpu.matmul %get3A_1, %get3A_4, %dot_general3A {dimension_numbers = #tpu.dot_dimension_numbers<[1], [0], [0], [1], [0, 0, 1, 1], [], []>, transpose_lhs_hint = false} : vector<1000x256xf32>, vector<256x256xf32>, vector<1000x256xf32> -> vector<1000x256xf32>
    %slice3A = vector.extract_strided_slice %dot_general3A_5 {offsets = [0, 0], sizes = [1000, 128], strides = [1, 1]} : vector<1000x256xf32> to vector<1000x128xf32>
    %swap3A = arith.constant 0 : index
    %swap3A_6 = arith.constant 0 : index
    %swap3A_7 = arith.constant 0 : index
    %swap3A_8 = vector.load %arg3[%swap3A, %swap3A_6, %swap3A_7] : memref<2x1000x128xf32, #tpu.memory_space<vmem>>, vector<1x1000x128xf32>
    %swap3A_9 = vector.shape_cast %swap3A_8 : vector<1x1000x128xf32> to vector<1000x128xf32>
    %swap3A_10 = vector.shape_cast %slice3A : vector<1000x128xf32> to vector<1x1000x128xf32>
    tpu.vector_store %arg3[%swap3A, %swap3A_6, %swap3A_7], %swap3A_10 {strides = array<i32>} : memref<2x1000x128xf32, #tpu.memory_space<vmem>>, vector<1x1000x128xf32>,
    %slice3A_11 = vector.extract_strided_slice %dot_general3A_5 {offsets = [0, 128], sizes = [1000, 128], strides = [1, 1]} : vector<1000x256xf32> to vector<1000x128xf32>
    %swap3A_12 = arith.constant 1 : index
    %swap3A_13 = arith.constant 0 : index
    %swap3A_14 = arith.constant 0 : index
    %swap3A_15 = vector.load %arg3[%swap3A_12, %swap3A_13, %swap3A_14] : memref<2x1000x128xf32, #tpu.memory_space<vmem>>, vector<1x1000x128xf32>
    %swap3A_16 = vector.shape_cast %swap3A_15 : vector<1x1000x128xf32> to vector<1000x128xf32>
    %swap3A_17 = vector.shape_cast %slice3A_11 : vector<1000x128xf32> to vector<1x1000x128xf32>
    tpu.vector_store %arg3[%swap3A_12, %swap3A_13, %swap3A_14], %swap3A_17 {strides = array<i32>} : memref<2x1000x128xf32, #tpu.memory_space<vmem>>, vector<1x1000x128xf32>,
    return
  }
  func.func @transform_0(%arg0: i32) -> (i32, i32) {
    %c0_i32 = arith.constant 0 : i32
    %c0_i32_0 = arith.constant 0 : i32
    return %arg0, %c0_i32 : i32, i32
  }
  func.func @transform_1(%arg0: i32) -> (i32, i32) {
    %c0_i32 = arith.constant 0 : i32
    %c0_i32_0 = arith.constant 0 : i32
    %c0_i32_1 = arith.constant 0 : i32
    return %c0_i32, %c0_i32_0 : i32, i32
  }
  func.func @transform_2(%arg0: i32) -> (i32, i32, i32) {
    %c0_i32 = arith.constant 0 : i32
    %c0_i32_0 = arith.constant 0 : i32
    %c0_i32_1 = arith.constant 0 : i32
    return %c0_i32, %arg0, %c0_i32_0 : i32, i32, i32
  }
}

module attributes {stable_mosaic.version = 14 : i64} {
  func.func @body(%arg0: i32, %arg1: memref<2x1000x128xf32, #tpu.memory_space<vmem>>, %arg2: memref<1x1000x128xf32, #tpu.memory_space<vmem>>, %arg3: memref<2x1000x128xf32, #tpu.memory_space<vmem>>) attributes {dimension_semantics = [#tpu.dimension_semantics<arbitrary>], iteration_bounds = array<i64: 10>, scalar_prefetch = 0 : i64, scratch_operands = 0 : i64, tpu.core_type = #tpu.core_type<tc>, window_params = [{transform_indices = @transform_0, window_bounds = array<i64: 2, 1000, 128>}, {transform_indices = @transform_1, window_bounds = array<i64: 1, 1000, 128>}, {transform_indices = @transform_2, window_bounds = array<i64: 2, 1000, 128>}]} {
    %get3A = arith.constant 0 : index
    %get3A_0 = arith.constant 0 : index
    %get3A_1 = arith.constant 0 : index
    %get3A_2 = vector.load %arg2[%get3A, %get3A_0, %get3A_1] : memref<1x1000x128xf32, #tpu.memory_space<vmem>>, vector<1x1000x1xf32>
    %get3A_3 = vector.shape_cast %get3A_2 : vector<1x1000x1xf32> to vector<1000x1xf32>
    %max3A = arith.constant 1.000000e+00 : f32
    %max3A_4 = vector.broadcast %max3A : f32 to vector<1000x1xf32>
    %max3A_5 = arith.maximumf %get3A_3, %max3A_4 : vector<1000x1xf32>
    %rsqrt3A = math.rsqrt %max3A_5 : vector<1000x1xf32>
    %get3A_6 = arith.constant 0 : index
    %get3A_7 = arith.constant 0 : index
    %get3A_8 = arith.constant 0 : index
    %get3A_9 = vector.load %arg1[%get3A_6, %get3A_7, %get3A_8] : memref<2x1000x128xf32, #tpu.memory_space<vmem>>, vector<1x1000x128xf32>
    %get3A_10 = vector.shape_cast %get3A_9 : vector<1x1000x128xf32> to vector<1000x128xf32>
    %mul3A = vector.broadcast %rsqrt3A : vector<1000x1xf32> to vector<1000x128xf32>
    %mul3A_11 = arith.mulf %get3A_10, %mul3A : vector<1000x128xf32>
    %swap3A = arith.constant 0 : index
    %swap3A_12 = arith.constant 0 : index
    %swap3A_13 = arith.constant 0 : index
    %swap3A_14 = vector.load %arg3[%swap3A, %swap3A_12, %swap3A_13] : memref<2x1000x128xf32, #tpu.memory_space<vmem>>, vector<1x1000x128xf32>
    %swap3A_15 = vector.shape_cast %swap3A_14 : vector<1x1000x128xf32> to vector<1000x128xf32>
    %swap3A_16 = vector.shape_cast %mul3A_11 : vector<1000x128xf32> to vector<1x1000x128xf32>
    tpu.vector_store %arg3[%swap3A, %swap3A_12, %swap3A_13], %swap3A_16 {strides = array<i32>} : memref<2x1000x128xf32, #tpu.memory_space<vmem>>, vector<1x1000x128xf32>,
    %get3A_17 = arith.constant 1 : index
    %get3A_18 = arith.constant 0 : index
    %get3A_19 = arith.constant 0 : index
    %get3A_20 = vector.load %arg1[%get3A_17, %get3A_18, %get3A_19] : memref<2x1000x128xf32, #tpu.memory_space<vmem>>, vector<1x1000x128xf32>
    %get3A_21 = vector.shape_cast %get3A_20 : vector<1x1000x128xf32> to vector<1000x128xf32>
    %mul3A_22 = vector.broadcast %rsqrt3A : vector<1000x1xf32> to vector<1000x128xf32>
    %mul3A_23 = arith.mulf %get3A_21, %mul3A_22 : vector<1000x128xf32>
    %swap3A_24 = arith.constant 1 : index
    %swap3A_25 = arith.constant 0 : index
    %swap3A_26 = arith.constant 0 : index
    %swap3A_27 = vector.load %arg3[%swap3A_24, %swap3A_25, %swap3A_26] : memref<2x1000x128xf32, #tpu.memory_space<vmem>>, vector<1x1000x128xf32>
    %swap3A_28 = vector.shape_cast %swap3A_27 : vector<1x1000x128xf32> to vector<1000x128xf32>
    %swap3A_29 = vector.shape_cast %mul3A_23 : vector<1000x128xf32> to vector<1x1000x128xf32>
    tpu.vector_store %arg3[%swap3A_24, %swap3A_25, %swap3A_26], %swap3A_29 {strides = array<i32>} : memref<2x1000x128xf32, #tpu.memory_space<vmem>>, vector<1x1000x128xf32>,
    return
  }
  func.func @transform_0(%arg0: i32) -> (i32, i32, i32) {
    %c0_i32 = arith.constant 0 : i32
    %c0_i32_0 = arith.constant 0 : i32
    %c0_i32_1 = arith.constant 0 : i32
    return %c0_i32, %arg0, %c0_i32_0 : i32, i32, i32
  }
  func.func @transform_1(%arg0: i32) -> (i32, i32, i32) {
    %c0_i32 = arith.constant 0 : i32
    %c0_i32_0 = arith.constant 0 : i32
    %c0_i32_1 = arith.constant 0 : i32
    return %c0_i32, %arg0, %c0_i32_0 : i32, i32, i32
  }
  func.func @transform_2(%arg0: i32) -> (i32, i32, i32) {
    %c0_i32 = arith.constant 0 : i32
    %c0_i32_0 = arith.constant 0 : i32
    %c0_i32_1 = arith.constant 0 : i32
    return %c0_i32, %arg0, %c0_i32_0 : i32, i32, i32
  }
}

module attributes {stable_mosaic.version = 14 : i64} {
  func.func @body(%arg0: i32, %arg1: memref<2x1000x128xf32, #tpu.memory_space<vmem>>, %arg2: memref<2x1000x128xf32, #tpu.memory_space<vmem>>, %arg3: memref<256xf32, #tpu.memory_space<vmem>>, %arg4: memref<256x128xf32, #tpu.memory_space<vmem>>, %arg5: memref<1000x128xf32, #tpu.memory_space<vmem>>) attributes {dimension_semantics = [#tpu.dimension_semantics<arbitrary>], iteration_bounds = array<i64: 10>, scalar_prefetch = 0 : i64, scratch_operands = 0 : i64, tpu.core_type = #tpu.core_type<tc>, window_params = [{transform_indices = @transform_0, window_bounds = array<i64: 2, 1000, 128>}, {transform_indices = @transform_1, window_bounds = array<i64: 2, 1000, 128>}, {pipeline_mode = #tpu.pipeline_mode<synchronous>, transform_indices = @transform_2, window_bounds = array<i64: 256>}, {pipeline_mode = #tpu.pipeline_mode<synchronous>, transform_indices = @transform_3, window_bounds = array<i64: 256, 128>}, {transform_indices = @transform_4, window_bounds = array<i64: 1000, 128>}]} {
    %get3A = arith.constant 1 : index
    %get3A_0 = arith.constant 0 : index
    %get3A_1 = arith.constant 0 : index
    %get3A_2 = vector.load %arg2[%get3A, %get3A_0, %get3A_1] : memref<2x1000x128xf32, #tpu.memory_space<vmem>>, vector<1x1000x1xf32>
    %get3A_3 = vector.shape_cast %get3A_2 : vector<1x1000x1xf32> to vector<1000x1xf32>
    %max3A = arith.constant 1.000000e+00 : f32
    %max3A_4 = vector.broadcast %max3A : f32 to vector<1000x1xf32>
    %max3A_5 = arith.maximumf %get3A_3, %max3A_4 : vector<1000x1xf32>
    %rsqrt3A = math.rsqrt %max3A_5 : vector<1000x1xf32>
    %get3A_6 = arith.constant 0 : index
    %get3A_7 = arith.constant 0 : index
    %get3A_8 = arith.constant 0 : index
    %get3A_9 = vector.load %arg2[%get3A_6, %get3A_7, %get3A_8] : memref<2x1000x128xf32, #tpu.memory_space<vmem>>, vector<1x1000x1xf32>
    %get3A_10 = vector.shape_cast %get3A_9 : vector<1x1000x1xf32> to vector<1000x1xf32>
    %max3A_11 = arith.constant 1.000000e+00 : f32
    %max3A_12 = vector.broadcast %max3A_11 : f32 to vector<1000x1xf32>
    %max3A_13 = arith.maximumf %get3A_10, %max3A_12 : vector<1000x1xf32>
    %rsqrt3A_14 = math.rsqrt %max3A_13 : vector<1000x1xf32>
    %get3A_15 = arith.constant 0 : index
    %get3A_16 = arith.constant 0 : index
    %get3A_17 = arith.constant 0 : index
    %get3A_18 = vector.load %arg1[%get3A_15, %get3A_16, %get3A_17] : memref<2x1000x128xf32, #tpu.memory_space<vmem>>, vector<1x1000x128xf32>
    %get3A_19 = vector.shape_cast %get3A_18 : vector<1x1000x128xf32> to vector<1000x128xf32>
    %get3A_20 = arith.constant 1 : index
    %get3A_21 = arith.constant 0 : index
    %get3A_22 = arith.constant 0 : index
    %get3A_23 = vector.load %arg1[%get3A_20, %get3A_21, %get3A_22] : memref<2x1000x128xf32, #tpu.memory_space<vmem>>, vector<1x1000x128xf32>
    %get3A_24 = vector.shape_cast %get3A_23 : vector<1x1000x128xf32> to vector<1000x128xf32>
    %concatenate3A = tpu.concatenate %get3A_19, %get3A_24 in 1 : vector<1000x128xf32>, vector<1000x128xf32> -> vector<1000x256xf32>
    %mul3A = vector.broadcast %rsqrt3A : vector<1000x1xf32> to vector<1000x256xf32>
    %mul3A_25 = arith.mulf %concatenate3A, %mul3A : vector<1000x256xf32>
    %get3A_26 = arith.constant 0 : index
    %get3A_27 = vector.load %arg3[%get3A_26] : memref<256xf32, #tpu.memory_space<vmem>>, vector<256xf32>
    %broadcast_in_dim3A = vector.shape_cast %get3A_27 : vector<256xf32> to vector<1x256xf32>
    %add3A = vector.broadcast %broadcast_in_dim3A : vector<1x256xf32> to vector<1000x256xf32>
    %add3A_28 = arith.addf %mul3A_25, %add3A : vector<1000x256xf32>
    %max3A_29 = arith.constant 0.000000e+00 : f32
    %max3A_30 = vector.broadcast %max3A_29 : f32 to vector<1000x256xf32>
    %max3A_31 = arith.maximumf %add3A_28, %max3A_30 : vector<1000x256xf32>
    %get3A_32 = arith.constant 0 : index
    %get3A_33 = arith.constant 0 : index
    %get3A_34 = vector.load %arg4[%get3A_32, %get3A_33] : memref<256x128xf32, #tpu.memory_space<vmem>>, vector<256x128xf32>
    %dot_general3A = arith.constant dense<0.000000e+00> : vector<1000x128xf32>
    %dot_general3A_35 = tpu.matmul %max3A_31, %get3A_34, %dot_general3A {dimension_numbers = #tpu.dot_dimension_numbers<[1], [0], [0], [1], [0, 0, 1, 1], [], []>, transpose_lhs_hint = false} : vector<1000x256xf32>, vector<256x128xf32>, vector<1000x128xf32> -> vector<1000x128xf32>
    %mul3A_36 = vector.broadcast %rsqrt3A_14 : vector<1000x1xf32> to vector<1000x128xf32>
    %mul3A_37 = arith.mulf %dot_general3A_35, %mul3A_36 : vector<1000x128xf32>
    %swap3A = arith.constant 0 : index
    %swap3A_38 = arith.constant 0 : index
    %swap3A_39 = vector.load %arg5[%swap3A, %swap3A_38] : memref<1000x128xf32, #tpu.memory_space<vmem>>, vector<1000x128xf32>
    tpu.vector_store %arg5[%swap3A, %swap3A_38], %mul3A_37 {strides = array<i32>} : memref<1000x128xf32, #tpu.memory_space<vmem>>, vector<1000x128xf32>,
    return
  }
  func.func @transform_0(%arg0: i32) -> (i32, i32, i32) {
    %c0_i32 = arith.constant 0 : i32
    %c0_i32_0 = arith.constant 0 : i32
    %c0_i32_1 = arith.constant 0 : i32
    return %c0_i32, %arg0, %c0_i32_0 : i32, i32, i32
  }
  func.func @transform_1(%arg0: i32) -> (i32, i32, i32) {
    %c0_i32 = arith.constant 0 : i32
    %c0_i32_0 = arith.constant 0 : i32
    %c0_i32_1 = arith.constant 0 : i32
    return %c0_i32, %arg0, %c0_i32_0 : i32, i32, i32
  }
  func.func @transform_2(%arg0: i32) -> i32 {
    %c0_i32 = arith.constant 0 : i32
    %c0_i32_0 = arith.constant 0 : i32
    return %c0_i32 : i32
  }
  func.func @transform_3(%arg0: i32) -> (i32, i32) {
    %c0_i32 = arith.constant 0 : i32
    %c0_i32_0 = arith.constant 0 : i32
    %c0_i32_1 = arith.constant 0 : i32
    return %c0_i32, %c0_i32_0 : i32, i32
  }
  func.func @transform_4(%arg0: i32) -> (i32, i32) {
    %c0_i32 = arith.constant 0 : i32
    %c0_i32_0 = arith.constant 0 : i32
    return %arg0, %c0_i32 : i32, i32
  }
}

module attributes {stable_mosaic.version = 14 : i64} {
  func.func @body(%arg0: i32, %arg1: memref<2x1000x128xf32, #tpu.memory_space<vmem>>, %arg2: memref<2x1000x128xf32, #tpu.memory_space<vmem>>, %arg3: memref<128xf32, #tpu.memory_space<vmem>>, %arg4: memref<1000x128xf32, #tpu.memory_space<vmem>>) attributes {dimension_semantics = [#tpu.dimension_semantics<arbitrary>], iteration_bounds = array<i64: 10>, scalar_prefetch = 0 : i64, scratch_operands = 0 : i64, tpu.core_type = #tpu.core_type<tc>, window_params = [{transform_indices = @transform_0, window_bounds = array<i64: 2, 1000, 128>}, {transform_indices = @transform_1, window_bounds = array<i64: 2, 1000, 128>}, {pipeline_mode = #tpu.pipeline_mode<synchronous>, transform_indices = @transform_2, window_bounds = array<i64: 128>}, {transform_indices = @transform_3, window_bounds = array<i64: 1000, 128>}]} {
    %get3A = arith.constant 1 : index
    %get3A_0 = arith.constant 0 : index
    %get3A_1 = arith.constant 0 : index
    %get3A_2 = vector.load %arg2[%get3A, %get3A_0, %get3A_1] : memref<2x1000x128xf32, #tpu.memory_space<vmem>>, vector<1x1000x1xf32>
    %get3A_3 = vector.shape_cast %get3A_2 : vector<1x1000x1xf32> to vector<1000x1xf32>
    %max3A = arith.constant 1.000000e+00 : f32
    %max3A_4 = vector.broadcast %max3A : f32 to vector<1000x1xf32>
    %max3A_5 = arith.maximumf %get3A_3, %max3A_4 : vector<1000x1xf32>
    %rsqrt3A = math.rsqrt %max3A_5 : vector<1000x1xf32>
    %get3A_6 = arith.constant 0 : index
    %get3A_7 = arith.constant 0 : index
    %get3A_8 = arith.constant 0 : index
    %get3A_9 = vector.load %arg1[%get3A_6, %get3A_7, %get3A_8] : memref<2x1000x128xf32, #tpu.memory_space<vmem>>, vector<1x1000x128xf32>
    %get3A_10 = vector.shape_cast %get3A_9 : vector<1x1000x128xf32> to vector<1000x128xf32>
    %get3A_11 = arith.constant 1 : index
    %get3A_12 = arith.constant 0 : index
    %get3A_13 = arith.constant 0 : index
    %get3A_14 = vector.load %arg1[%get3A_11, %get3A_12, %get3A_13] : memref<2x1000x128xf32, #tpu.memory_space<vmem>>, vector<1x1000x128xf32>
    %get3A_15 = vector.shape_cast %get3A_14 : vector<1x1000x128xf32> to vector<1000x128xf32>
    %add3A = arith.addf %get3A_10, %get3A_15 : vector<1000x128xf32>
    %mul3A = vector.broadcast %rsqrt3A : vector<1000x1xf32> to vector<1000x128xf32>
    %mul3A_16 = arith.mulf %add3A, %mul3A : vector<1000x128xf32>
    %get3A_17 = arith.constant 0 : index
    %get3A_18 = vector.load %arg3[%get3A_17] : memref<128xf32, #tpu.memory_space<vmem>>, vector<128xf32>
    %broadcast_in_dim3A = vector.shape_cast %get3A_18 : vector<128xf32> to vector<1x128xf32>
    %add3A_19 = vector.broadcast %broadcast_in_dim3A : vector<1x128xf32> to vector<1000x128xf32>
    %add3A_20 = arith.addf %mul3A_16, %add3A_19 : vector<1000x128xf32>
    %swap3A = arith.constant 0 : index
    %swap3A_21 = arith.constant 0 : index
    %swap3A_22 = vector.load %arg4[%swap3A, %swap3A_21] : memref<1000x128xf32, #tpu.memory_space<vmem>>, vector<1000x128xf32>
    tpu.vector_store %arg4[%swap3A, %swap3A_21], %add3A_20 {strides = array<i32>} : memref<1000x128xf32, #tpu.memory_space<vmem>>, vector<1000x128xf32>,
    return
  }
  func.func @transform_0(%arg0: i32) -> (i32, i32, i32) {
    %c0_i32 = arith.constant 0 : i32
    %c0_i32_0 = arith.constant 0 : i32
    %c0_i32_1 = arith.constant 0 : i32
    return %c0_i32, %arg0, %c0_i32_0 : i32, i32, i32
  }
  func.func @transform_1(%arg0: i32) -> (i32, i32, i32) {
    %c0_i32 = arith.constant 0 : i32
    %c0_i32_0 = arith.constant 0 : i32
    %c0_i32_1 = arith.constant 0 : i32
    return %c0_i32, %arg0, %c0_i32_0 : i32, i32, i32
  }
  func.func @transform_2(%arg0: i32) -> i32 {
    %c0_i32 = arith.constant 0 : i32
    %c0_i32_0 = arith.constant 0 : i32
    return %c0_i32 : i32
  }
  func.func @transform_3(%arg0: i32) -> (i32, i32) {
    %c0_i32 = arith.constant 0 : i32
    %c0_i32_0 = arith.constant 0 : i32
    return %arg0, %c0_i32 : i32, i32
  }
}

</mosaic_0001>

<sc_bundles>
// kernel: kernel.12.cloned.1.call-start
scs
__scs_entry_jumppad:
0x0: {  	(pc) =	sbr.rel $0x88, $3  }
0x1: {  	(tag) =	ssettag $0x0;
	lr =	simm.s32 $0x1  }
0x2: {  	[smem:$0x3F9B] =	sst lr;
	_ =	strace $0xD0000000  }
0x3: {  	_ = 	snop  }
0x4: {  	_ = 	snop  }
0x5: {  	_ = 	snop  }
0x6: {  	_ = 	snop  }
0x7: {  	_ = 	snop  }
__scs_overlays_trampoline_lowered:
0x8: {  	[smem:$0x3FAA] =	sst s0  }
0x9: {  	[smem:$0x3FAB] =	sst s1  }
0xa: {  	[smem:$0x3FAC] =	sst s2  }
0xb: {  	[smem:$0x3FAD] =	sst s3  }
0xc: {  	[smem:$0x3FAE] =	sst s4  }
0xd: {  	[smem:$0x3FAF] =	sst s5  }
0xe: {  	[smem:$0x3FB0] =	sst s6  }
0xf: {  	[smem:$0x3FB1] =	sst s7  }
0x10: {  	[smem:$0x3FB2] =	sst s8  }
0x11: {  	[smem:$0x3FB3] =	sst s9;
	s0 =	simm.s32 @!p0 $0x0  }
0x12: {  	s1 =	sld [smem:$0x3F99];
	s0 =	simm.s32 @p0 $0x1  }
0x13: {  	[smem:$0x3FB4] =	sst s0;
	s0 =	simm.s32 @!p1 $0x0  }
0x14: {  	s2 =	sld [smem:$0x3F98];
	s0 =	simm.s32 @p1 $0x1  }
0x15: {  	[smem:$0x3FB5] =	sst s0;
	s0 =	simm.s32 @!p2 $0x0  }
0x16: {  	s3 =	sld [smem:$0x3FDB];
	s0 =	simm.s32 @p2 $0x1  }
0x17: {  	s4 =	simm.s32 $0x1BF5;
	[smem:$0x3FB7] =	sst s0  }
0x18: {  	s0 =	sld [smem:$0x3F9A];
	_ =	swait.ge [sflag:s4], $0x0  }
0x19: {  	s7 =	sld [smem:$0x3F9B]  }
0x1a: {  	s8 =	sadd.s32 $0xFFFFE003, lr  }
0x1b: {  	s9 =	sadd.s32 $0xFFFFFEF7, lr;
	s5 =	simm.s32 $0xFFFFFFFF;
	p2 =	slt.u32 s8, $0xFFFFF086  }
0x1c: {  	p1 =	slt.u32 s9, $0xF7A;
	s5 =	simm.s32 @!p2 $0x0  }
0x1d: {  	s5 =	simm.s32 @p1 $0x1;
	p0 =	seq.s32 s7, s2  }
0x1e: {  	s7 =	smul.u32 @!p0 $0xF7A, s2;
	p2 =	seq.s32 @!p0 s5, $0x0  }
0x1f: {  	s9 =	smul.u32 $0xF7A, s1;
	s8 =	simm.s32 @!p0 $0x1BF5;
	p2 =	por !p2, p0  }
0x20: {  	[sflag:s8] =	ssyncset.s32 @!p0 $0xFFFFF086;
	s6 =	sadd.s32 @!p0 s3, s7;
	s7 =	simm.s32 @!p0 $0x108  }
0x21: {  	s3 =	sadd.s32 s3, s9;
	s6 =	sadd.s32 @!p0 $0x88, s6;
	s7 =	simm.s32 @p2 $0x1082  }
0x22: {  	[simem:s7], [sflag:s8] =	dma.local @!p0 [hbm:s6], $0xF7A  }
0x23: {  	s9 =	sor.u32 $0xD0000000, s2;
	s6 =	simm.s32 $0x108;
	_ =	swait.ge @!p0 [sflag:s8], $0x0  }
0x24: {  	s3 =	sadd.s32 $0x88, s3;
	s6 =	simm.s32 @!p1 $0x1082;
	[sflag:s4] =	ssyncset.s32 $0xFFFFF086  }
0x25: {  	[simem:s6], [sflag:s4] =	dma.local [hbm:s3], $0xF7A  }
0x26: {  	[smem:$0x3F9B] =	sst s1;
	(tag) =	ssettag s2;
	_ =	strace s9  }
0x27: {  	s1 =	sld [smem:$0x3FAB]  }
0x28: {  	s2 =	sld [smem:$0x3FAC]  }
0x29: {  	s4 =	sld [smem:$0x3FAE]  }
0x2a: {  	p0 =	seq.s32 s5, $0x0;
	s5 =	sld [smem:$0x3FAF]  }
0x2b: {  	s6 =	sld [smem:$0x3FB0]  }
0x2c: {  	s7 =	sld [smem:$0x3FB1]  }
0x2d: {  	s3 =	simm.s32 $0x108;
	s8 =	sld [smem:$0x3FB2]  }
0x2e: {  	s3 =	simm.s32 @!p0 $0x1082;
	s9 =	sld [smem:$0x3FB3]  }
0x2f: {  	lr =	sadd.s32 s0, s3;
	s0 =	sld [smem:$0x3FAA]  }
0x30: {  	s3 =	sld [smem:$0x3FAD]  }
0x31: {  	[smem:$0x3FB6] =	sst s10  }
0x32: {  	s10 =	sld [smem:$0x3FB4];
	_ =	sdelay $0x3  }
0x33: {  	p0 =	seq.s32 s10, $0x1;
	s10 =	sld [smem:$0x3FB6];
	_ =	sdelay $0x3  }
0x34: {  	[smem:$0x3FB6] =	sst s10  }
0x35: {  	s10 =	sld [smem:$0x3FB5];
	_ =	sdelay $0x3  }
0x36: {  	p1 =	seq.s32 s10, $0x1;
	s10 =	sld [smem:$0x3FB6];
	_ =	sdelay $0x3  }
0x37: {  	[smem:$0x3FB6] =	sst s10  }
0x38: {  	s10 =	sld [smem:$0x3FB7]  }
0x39: {  	_ = 	snop;
	(pc) =	sbr.ind lr, $3  }
0x3a: {  	_ = 	snop  }
0x3b: {  	_ = 	snop  }
0x3c: {  	p2 =	seq.s32 s10, $0x1;
	s10 =	sld [smem:$0x3FB6]  }
0x3d: {  	_ =	shalt  }
0x3e: {  	_ =	shalt  }
0x3f: {  	_ =	shalt  }
0x40: {  	_ =	shalt  }
0x41: {  	_ =	shalt  }
0x42: {  	_ =	shalt  }
0x43: {  	_ =	shalt  }
0x44: {  	_ =	shalt  }
0x45: {  	_ =	shalt  }
0x46: {  	_ =	shalt  }
0x47: {  	_ =	shalt  }
0x48: {  	_ =	shalt  }
0x49: {  	_ =	shalt  }
0x4a: {  	_ =	shalt  }
0x4b: {  	_ =	shalt  }
0x4c: {  	_ =	shalt  }
0x4d: {  	_ =	shalt  }
0x4e: {  	_ =	shalt  }
0x4f: {  	_ =	shalt  }
0x50: {  	_ =	shalt  }
0x51: {  	_ =	shalt  }
0x52: {  	_ =	shalt  }
0x53: {  	_ =	shalt  }
0x54: {  	_ =	shalt  }
0x55: {  	_ =	shalt  }
0x56: {  	_ =	shalt  }
0x57: {  	_ =	shalt  }
0x58: {  	_ =	shalt  }
0x59: {  	_ =	shalt  }
0x5a: {  	_ =	shalt  }
0x5b: {  	_ =	shalt  }
0x5c: {  	_ =	shalt  }
0x5d: {  	_ =	shalt  }
0x5e: {  	_ =	shalt  }
0x5f: {  	_ =	shalt  }
0x60: {  	_ =	shalt  }
0x61: {  	_ =	shalt  }
0x62: {  	_ =	shalt  }
0x63: {  	_ =	shalt  }
0x64: {  	_ =	shalt  }
0x65: {  	_ =	shalt  }
0x66: {  	_ =	shalt  }
0x67: {  	_ =	shalt  }
0x68: {  	_ =	shalt  }
0x69: {  	_ =	shalt  }
0x6a: {  	_ =	shalt  }
0x6b: {  	_ =	shalt  }
0x6c: {  	_ =	shalt  }
0x6d: {  	_ =	shalt  }
0x6e: {  	_ =	shalt  }
0x6f: {  	_ =	shalt  }
0x70: {  	_ =	shalt  }
0x71: {  	_ =	shalt  }
0x72: {  	_ =	shalt  }
0x73: {  	_ =	shalt  }
0x74: {  	_ =	shalt  }
0x75: {  	_ =	shalt  }
0x76: {  	_ =	shalt  }
0x77: {  	_ =	shalt  }
0x78: {  	_ =	shalt  }
0x79: {  	_ =	shalt  }
0x7a: {  	_ =	shalt  }
0x7b: {  	_ =	shalt  }
0x7c: {  	_ =	shalt  }
0x7d: {  	_ =	shalt  }
0x7e: {  	_ =	shalt  }
0x7f: {  	_ =	shalt  }
0x80: {  	_ =	shalt  }
0x81: {  	_ =	shalt  }
0x82: {  	_ =	shalt  }
0x83: {  	_ =	shalt  }
0x84: {  	_ =	shalt  }
0x85: {  	_ =	shalt  }
0x86: {  	_ =	shalt  }
0x87: {  	_ =	shalt  }
.Lfunc_end0:
.L_simem_size_0:
called_computation.1_lowered:
.L_overlay_start_0:
0x88: {  	s2 =	sld [smem:$0x3FD9]  }
0x89: {  	s3 =	sld [smem:$0x3FFE];
	_ =	sdelay $0x1  }
0x8a: {  	s1 =	srdreg.scid  }
0x8b: {  	s0 =	sand.u32 $0x1, s1  }
0x8c: {  	s17 =	sshll.u32 s0, $0xA;
	s2 =	sadd.s32 s3, s2  }
0x8d: {  	s2 =	sadd.s32 s2, s17  }
0x8e: {  	[smem:$0x3FC2] =	sst s2  }
0x8f: {  	_ = 	snop  }
0x90: {  	s2 =	sld [smem:$0x3FD0];
	(tm) =	ssettm $0x1  }
0x91: {  	s18 =	sld [smem:$0x3FFB];
	_ =	sdelay $0x3  }
0x92: {  	_ =	strace s18  }
0x93: {  	s3 =	sld [smem:$0x3FFC];
	_ =	sdelay $0x3  }
0x94: {  	_ =	strace s3  }
0x95: {  	s3 =	sld [smem:$0x3FFD];
	_ =	sdelay $0x3  }
0x96: {  	_ =	strace s3  }
0x97: {  	_ =	strace $0x8FFFFFFF  }
0x98: {  	s19 =	sld [smem:$0x3FDB];
	_ =	sdelay $0x1  }
0x99: {  	s4 =	simm.s32 $_scs_section_size  }
0x9a: {  	s5 =	simm.s32 $_size__tile_overlayer_lowered;
	s6 =	simm.s32 $_tile_overlayer_lowered  }
0x9b: {  	s22 =	simm.s32 $0x1BFF;
	s21 =	sshll.u32 s6, $0x1;
	s3 =	sadd.s32 s4, s19  }
0x9c: {  	s7 =	simm.s32 $0x0;
	s20 =	sshll.u32 s5, $0x1;
	s5 =	sadd.s32 s21, s3  }
0x9d: {  	[timem:s7], [sflag:s22] =	dma.local [hbm:s5], s20  }
0x9e: {  	_ =	swait.ge [sflag:s22], s20  }
0x9f: {  	s4 =	ssub.s32 $0x0, s20;
	[sflag:s22] =	ssyncset.done $0x0  }
0xa0: {  	[sflag:s22] =	ssyncadd.s32 s4;
	_ =	sdelay $0x1  }
0xa1: {  	s23 =	simm.s32 $0x1B8B  }
0xa2: {  	_ =	swait.ge [sflag:s23], $0x1  }
0xa3: {  	[sflag:s23] =	ssyncset.done $0x0  }
0xa4: {  	s25 =	simm.s32 $0x1B8E;
	s24 =	sld [smem:$0x3FFE];
	[sflag:s23] =	ssyncadd.s32 $0xFFFFFFFF  }
0xa5: {  	s26 =	simm.s32 $execute0_lowered;
	[smem:$0x3FD2] =	sst s25  }
0xa6: {  	s5 =	sshll.u32 s26, $0x1;
	_ =	strace $0x80000049;
	[dreg:$0x1] =	wrdreg $0xFFFFFFFF  }
0xa7: {  	s28 =	simm.s32 $_size_execute0_lowered;
	s3 =	sadd.s32 s3, s5;
	[dreg:$0x0] =	wrdreg $0x0  }
0xa8: {  	s5 =	sshll.u32 s28, $0x1;
	[dreg:$0x2] =	wrdreg s3  }
0xa9: {  	[dreg:$0x3] =	wrdreg s5  }
0xaa: {  	[dreg:$0x4] =	wrdreg $0xC0  }
0xab: {  	_ =	task [dreg:s7], $0x5FFFF  }
0xac: {  	[dreg:$0x1] =	wrdreg $0xFFFFFFFF  }
0xad: {  	[dreg:$0x0] =	wrdreg $0x60  }
0xae: {  	[dreg:$0x2] =	wrdreg s24  }
0xaf: {  	[dreg:$0x3] =	wrdreg s2  }
0xb0: {  	[dreg:$0x4] =	wrdreg $0xA8000  }
0xb1: {  	[dreg:$0x5] =	wrdreg $0x9  }
0xb2: {  	_ =	task.clear_ibuf [dreg:s7], $0x6FFFF;
	_ =	strace $0x90000049  }
0xb3: {  	s29 =	simm.s32 $0x9;
	_ =	strace $0x8000004B  }
0xb4: {  	_ =	swait.ge [sflag:s29], $0x1  }
0xb5: {  	[sflag:s29] =	ssyncadd.s32 $0xFFFFFFFF  }
0xb6: {  	_ =	strace $0x9000004B  }
0xb7: {  	_ =	sfence  }
0xb8: {  	s30 =	sld [smem:$0x0];
	_ =	sdelay $0x2  }
0xb9: {  	s31 =	sshll.u32 s1, $0xD;
	s1 =	sshrl.u32 s1, $0x2  }
0xba: {  	s3 =	sand.u32 $0x4000, s31;
	s1 =	sadd.s32 s1, s30  }
0xbb: {  	s0 =	sor.u32 s3, s0;
	s1 =	sshll.u32 s1, $0x11  }
0xbc: {  	s0 =	sor.u32 s1, s0  }
0xbd: {  	s0 =	sadd.s32 $0x8F2B, s0  }
0xbe: {  	[sflag:s0] =	ssyncadd.remote.s32 $0x1  }
0xbf: {  	_ =	sfence.sel $0xFFFF  }
0xc0: {  	[dreg:$0x0] =	wrdreg $0xFFFFFFFF;
	(pc) =	sbr.abs _section_cstart, $3  }
0xc1: {  	[dreg:$0x1] =	wrdreg $0xFFFFFFFF  }
0xc2: {  	_ =	task.clear_ibuf [dreg:s7], $0x2FFFF;
	_ =	strace $0x9FFFFFFF  }
0xc3: {  	(tm) =	ssettm $0x7FFFFFFF  }
tec
execute0_lowered:
.L_overlay_start_1:
0x0: {  	(tag) =	ssettag $0x1  }
0x1: {  	s5 =	rddreg [dreg:$0x0]  }
0x2: {  	s9 =	rddreg [dreg:$0x1]  }
0x3: {  	s1 =	rddreg [dreg:$0x2];
	s2 =	srdreg.scid  }
0x4: {  	s0 =	rddreg [dreg:$0x3];
	s3 =	simm.s32 $0x0;
	s16 =	simm.s32 $0x2800  }
0x5: {  	s17 =	simm.s32 $0x5;
	s18 =	simm.s32 $0x1400;
	s6 =	sand.u32 $0x1, s2  }
0x6: {  	s19 =	simm.s32 $0x80;
	s2 =	stileid.u32;
	s7 =	smul.u32 $0x140000, s6  }
0x7: {  	s20 =	simm.s32 $0x6800;
	s21 =	simm.s32 $0x1;
	s8 =	smul.u32 $0x14000, s2  }
0x8: {  	s22 =	simm.s32 $0x3;
	s23 =	simm.s32 $0x2;
	s10 =	smul.u32 $0x28000, s6  }
0x9: {  	s24 =	simm.s32 $0x4;
	[smem:$0x7FF] =	sst s3;
	s25 =	smul.u32 $0x2800, s2  }
0xa: {  	s4 =	sadd.s32 $0x67800, s5;
	s12 =	smul.u32 $0x50000, s2;
	s26 =	ssub.s32 $0x2, s6  }
0xb: {  	s11 =	sadd.s32 $0xD800, s5;
	_ =	strace $0x8000004A;
	s29 =	sshrl.u32 s26, $0x1  }
0xc: {  	s7 =	sadd.s32 s8, s7;
	s28 =	sadd.s32 s25, s10;
	s30 =	sshrl.u32 s12, $0x2  }
0xd: {  	s31 =	ssub.s32 s26, s29;
	s25 =	simm.s32 $0x2700;
	s7 =	sshrl.u32 s7, $0x3  }
0xe: {  	s26 =	simm.s32 $0x2780;
	s10 =	sshrl.u32 s28, $0x3;
	s13 =	sadd.s32 s7, s5  }
0xf: {  	s5 =	sadd.s32 s30, s1;
	s14 =	sadd.s32 $0x280, s10;
	s6 =	sadd.s32 s11, s10  }
0x10: {  	s7 =	sadd.s32 s9, s10;
	s8 =	sadd.s32 s11, s14;
	s9 =	sadd.s32 s9, s14  }
0x11: {  	s10 =	sadd.s32 $0xB5A00, s13;
	s11 =	smax.u32 s31, $0x1;
	s12 =	sadd.s32 $0x4000, s5  }
0x12: {  	v0 =	vimm.f32 $0.0e+00;
	s13 =	sadd.s32 $0x8000, s5;
	s14 =	sadd.s32 $0xC000, s5;
	s15 =	sadd.s32 $0x10000, s5  }
.LBB2_1:
0x13: {  	s28 =	simm.s32 $0x0;
	s29 =	simm.s32 $0x200  }
.LBB2_2:
0x14: {  	p0 =	sne.s32 s29, $0xFE00;
	[tilespmem:s28+$0x2870] =	vst v0  }
0x15: {  	[tilespmem:s28+$0x2800] =	vst v0  }
0x16: {  	[tilespmem:s28+$0x2810] =	vst v0  }
.Ltmp0:
0x17: {  	[tilespmem:s28+$0x2820] =	vst v0;
	(pc) =	sbr.rel @p0 .LBB2_2-.Ltmp0, $4  }
0x18: {  	[tilespmem:s28+$0x2830] =	vst v0  }
0x19: {  	[tilespmem:s28+$0x2840] =	vst v0  }
0x1a: {  	[tilespmem:s28+$0x2850] =	vst v0  }
0x1b: {  	[tilespmem:s28+$0x2860] =	vst v0;
	s28 =	sshra.s32 s29, $0x2;
	s29 =	sadd.s32 $0x200, s29  }
0x1c: {  	[tilespmem:s28+$0x2870] =	vst v0  }
0x1d: {  	[tilespmem:s28+$0x2800] =	vst v0  }
0x1e: {  	[tilespmem:s28+$0x2810] =	vst v0  }
0x1f: {  	[tilespmem:s28+$0x2820] =	vst v0  }
0x20: {  	[tilespmem:s28+$0x2830] =	vst v0  }
0x21: {  	[tilespmem:s28+$0x2840] =	vst v0  }
0x22: {  	[tilespmem:s28+$0x2850] =	vst v0  }
0x23: {  	[tilespmem:s28+$0x2860] =	vst v0  }
0x24: {  	[spmem:s5] =	stream.linear.scatter [tilespmem:s16], [sflag:$0x5], $0x4000, $0x38;
	[tilespmem:$0x1E800] =	vst v63  }
0x25: {  	_ =	swait.ge [sflag:s17], $0x4000  }
0x26: {  	[sflag:s17] =	ssyncset.done $0x0  }
0x27: {  	[sflag:s17] =	ssyncadd.s32 $0xFFFFC000  }
0x28: {  	[spmem:s12] =	stream.linear.scatter [tilespmem:s16], [sflag:$0x5], $0x4000, $0x38;
	[tilespmem:$0x1E800] =	vst v63  }
0x29: {  	_ =	swait.ge [sflag:s17], $0x4000  }
0x2a: {  	[sflag:s17] =	ssyncset.done $0x0  }
0x2b: {  	[sflag:s17] =	ssyncadd.s32 $0xFFFFC000  }
0x2c: {  	[spmem:s13] =	stream.linear.scatter [tilespmem:s16], [sflag:$0x5], $0x4000, $0x38;
	[tilespmem:$0x1E800] =	vst v63  }
0x2d: {  	_ =	swait.ge [sflag:s17], $0x4000  }
0x2e: {  	[sflag:s17] =	ssyncset.done $0x0  }
0x2f: {  	[sflag:s17] =	ssyncadd.s32 $0xFFFFC000  }
0x30: {  	[spmem:s14] =	stream.linear.scatter [tilespmem:s16], [sflag:$0x5], $0x4000, $0x38;
	[tilespmem:$0x1E800] =	vst v63  }
0x31: {  	_ =	swait.ge [sflag:s17], $0x4000  }
0x32: {  	[sflag:s17] =	ssyncset.done $0x0  }
0x33: {  	[sflag:s17] =	ssyncadd.s32 $0xFFFFC000  }
0x34: {  	[spmem:s15] =	stream.linear.scatter [tilespmem:s16], [sflag:$0x5], $0x4000, $0x38;
	[tilespmem:$0x1E800] =	vst v63  }
0x35: {  	_ =	swait.ge [sflag:s17], $0x4000  }
0x36: {  	[sflag:s17] =	ssyncset.done $0x0  }
0x37: {  	[sflag:s17] =	ssyncadd.s32 $0xFFFFC000  }
0x38: {  	s28 =	simm.s32 $0x0;
	[bflag:$0x0] =	sbarrier.arrive $0xFFFF  }
0x39: {  	[tilespmem:s28], [sflag:$0x5] =	stream.linear.gather [hbm4b:s6+s28], $0x1400, $0x38;
	[tilespmem:$0x1E800] =	vst v63  }
0x3a: {  	_ =	swait.ge [sflag:s17], $0x1400  }
0x3b: {  	[sflag:s17] =	ssyncset.done $0x0  }
0x3c: {  	[sflag:s17] =	ssyncadd.s32 $0xFFFFEC00  }
0x3d: {  	[tilespmem:s18], [sflag:$0x5] =	stream.linear.gather [hbm4b:s7+s28], $0x1400, $0x38;
	[tilespmem:$0x1E800] =	vst v63  }
0x3e: {  	_ =	swait.ge [sflag:s17], $0x1400  }
0x3f: {  	[sflag:s17] =	ssyncset.done $0x0  }
0x40: {  	[sflag:s17] =	ssyncadd.s32 $0xFFFFEC00  }
0x41: {  	[tilespmem:s16], [sflag:$0x1] =	stream.indirect.gather [hbm4b:s4+s19], $0x80, s28, s19, $0xb8;
	[tilespmem:$0x1E800] =	vst v63  }
0x42: {  	_ = 	snop  }
0x43: {  	[tilespmem:s20], [sflag:$0x2] =	stream.indirect.gather [hbm4b:s4+s19], $0x80, s19, s19, $0xb8;
	[tilespmem:$0x1E800] =	vst v63  }
0x44: {  	_ =	swait.ge [sflag:s21], $0x4000  }
0x45: {  	[sflag:s21] =	ssyncset.done $0x0  }
0x46: {  	s28 =	simm.s32 $0x1400;
	[sflag:s21] =	ssyncadd.s32 $0xFFFFC000  }
0x47: {  	[spmem:s1] =	stream.indirect.scatter.add.f32 [tilespmem:s16], [sflag:$0x3], $0x80, s28, s19, $0xb8;
	[tilespmem:$0x1E800] =	vst v63  }
0x48: {  	_ =	swait.ge [sflag:s22], $0x4000  }
0x49: {  	[sflag:s22] =	ssyncset.done $0x0  }
0x4a: {  	s28 =	simm.s32 $0x100;
	[sflag:s22] =	ssyncadd.s32 $0xFFFFC000  }
0x4b: {  	[tilespmem:s16], [sflag:$0x1] =	stream.indirect.gather [hbm4b:s4+s19], $0x80, s28, s19, $0xb8;
	[tilespmem:$0x1E800] =	vst v63  }
0x4c: {  	_ =	swait.ge [sflag:s23], $0x4000  }
0x4d: {  	[sflag:s23] =	ssyncset.done $0x0  }
0x4e: {  	s28 =	simm.s32 $0x1480;
	[sflag:s23] =	ssyncadd.s32 $0xFFFFC000  }
0x4f: {  	[spmem:s1] =	stream.indirect.scatter.add.f32 [tilespmem:s20], [sflag:$0x4], $0x80, s28, s19, $0xb8;
	[tilespmem:$0x1E800] =	vst v63  }
0x50: {  	_ =	swait.ge [sflag:s24], $0x4000  }
0x51: {  	[sflag:s24] =	ssyncset.done $0x0  }
0x52: {  	s29 =	simm.s32 $0x180;
	s28 =	simm.s32 $0x400;
	[sflag:s24] =	ssyncadd.s32 $0xFFFFC000  }
.LBB2_4:
0x53: {  	[tilespmem:s20], [sflag:$0x2] =	stream.indirect.gather [hbm4b:s4+s19], $0x80, s29, s19, $0xb8;
	[tilespmem:$0x1E800] =	vst v63  }
0x54: {  	s29 =	smov.u32 s28  }
0x55: {  	p0 =	sne.s32 s28, $0x4800;
	s28 =	sadd.s32 $0x400, s28;
	_ =	swait.ge [sflag:s21], $0x4000  }
0x56: {  	s29 =	sshra.s32 s29, $0x2;
	[sflag:s21] =	ssyncset.done $0x0  }
0x57: {  	s30 =	sadd.s32 $0x1400, s29;
	[sflag:s21] =	ssyncadd.s32 $0xFFFFC000  }
0x58: {  	[spmem:s1] =	stream.indirect.scatter.add.f32 [tilespmem:s16], [sflag:$0x3], $0x80, s30, s19, $0xb8;
	[tilespmem:$0x1E800] =	vst v63  }
0x59: {  	_ =	swait.ge [sflag:s22], $0x4000  }
0x5a: {  	[sflag:s22] =	ssyncset.done $0x0  }
0x5b: {  	s30 =	sadd.s32 $0x100, s29;
	[sflag:s22] =	ssyncadd.s32 $0xFFFFC000  }
0x5c: {  	[tilespmem:s16], [sflag:$0x1] =	stream.indirect.gather [hbm4b:s4+s19], $0x80, s30, s19, $0xb8;
	[tilespmem:$0x1E800] =	vst v63  }
0x5d: {  	_ =	swait.ge [sflag:s23], $0x4000  }
0x5e: {  	[sflag:s23] =	ssyncset.done $0x0  }
.Ltmp1:
0x5f: {  	s30 =	sadd.s32 $0x1480, s29;
	[sflag:s23] =	ssyncadd.s32 $0xFFFFC000;
	(pc) =	sbr.rel @p0 .LBB2_4-.Ltmp1, $4  }
0x60: {  	[spmem:s1] =	stream.indirect.scatter.add.f32 [tilespmem:s20], [sflag:$0x4], $0x80, s30, s19, $0xb8;
	[tilespmem:$0x1E800] =	vst v63  }
0x61: {  	_ =	swait.ge [sflag:s24], $0x4000  }
0x62: {  	[sflag:s24] =	ssyncset.done $0x0  }
0x63: {  	s29 =	sadd.s32 $0x180, s29;
	[sflag:s24] =	ssyncadd.s32 $0xFFFFC000  }
0x64: {  	[tilespmem:s20], [sflag:$0x2] =	stream.indirect.gather [hbm4b:s4+s19], $0x80, s29, s19, $0xb8;
	[tilespmem:$0x1E800] =	vst v63  }
0x65: {  	_ =	swait.ge [sflag:s21], $0x4000  }
0x66: {  	[sflag:s21] =	ssyncset.done $0x0  }
0x67: {  	[sflag:s21] =	ssyncadd.s32 $0xFFFFC000  }
0x68: {  	[spmem:s1] =	stream.indirect.scatter.add.f32 [tilespmem:s16], [sflag:$0x3], $0x80, s25, s19, $0xb8;
	[tilespmem:$0x1E800] =	vst v63  }
0x69: {  	_ =	swait.ge [sflag:s23], $0x4000  }
0x6a: {  	[sflag:s23] =	ssyncset.done $0x0  }
0x6b: {  	[sflag:s23] =	ssyncadd.s32 $0xFFFFC000  }
0x6c: {  	[spmem:s1] =	stream.indirect.scatter.add.f32 [tilespmem:s20], [sflag:$0x4], $0x80, s26, s19, $0xb8;
	[tilespmem:$0x1E800] =	vst v63  }
0x6d: {  	_ =	swait.ge [sflag:s22], $0x4000  }
0x6e: {  	[sflag:s22] =	ssyncset.done $0x0  }
0x6f: {  	[sflag:s22] =	ssyncadd.s32 $0xFFFFC000  }
0x70: {  	_ =	swait.ge [sflag:s24], $0x4000  }
0x71: {  	[sflag:s24] =	ssyncset.done $0x0  }
0x72: {  	s28 =	simm.s32 $0x0;
	[sflag:s24] =	ssyncadd.s32 $0xFFFFC000  }
0x73: {  	[tilespmem:s28], [sflag:$0x5] =	stream.linear.gather [hbm4b:s8+s28], $0x1400, $0x38;
	[tilespmem:$0x1E800] =	vst v63  }
0x74: {  	_ =	swait.ge [sflag:s17], $0x1400  }
0x75: {  	[sflag:s17] =	ssyncset.done $0x0  }
0x76: {  	[sflag:s17] =	ssyncadd.s32 $0xFFFFEC00  }
0x77: {  	[tilespmem:s18], [sflag:$0x5] =	stream.linear.gather [hbm4b:s9+s28], $0x1400, $0x38;
	[tilespmem:$0x1E800] =	vst v63  }
0x78: {  	_ =	swait.ge [sflag:s17], $0x1400  }
0x79: {  	[sflag:s17] =	ssyncset.done $0x0  }
0x7a: {  	[sflag:s17] =	ssyncadd.s32 $0xFFFFEC00  }
0x7b: {  	[tilespmem:s16], [sflag:$0x1] =	stream.indirect.gather [hbm4b:s4+s19], $0x80, s28, s19, $0xb8;
	[tilespmem:$0x1E800] =	vst v63  }
0x7c: {  	_ = 	snop  }
0x7d: {  	[tilespmem:s20], [sflag:$0x2] =	stream.indirect.gather [hbm4b:s4+s19], $0x80, s19, s19, $0xb8;
	[tilespmem:$0x1E800] =	vst v63  }
0x7e: {  	_ =	swait.ge [sflag:s21], $0x4000  }
0x7f: {  	[sflag:s21] =	ssyncset.done $0x0  }
0x80: {  	s28 =	simm.s32 $0x1400;
	[sflag:s21] =	ssyncadd.s32 $0xFFFFC000  }
0x81: {  	[spmem:s1] =	stream.indirect.scatter.add.f32 [tilespmem:s16], [sflag:$0x3], $0x80, s28, s19, $0xb8;
	[tilespmem:$0x1E800] =	vst v63  }
0x82: {  	_ =	swait.ge [sflag:s22], $0x4000  }
0x83: {  	[sflag:s22] =	ssyncset.done $0x0  }
0x84: {  	s28 =	simm.s32 $0x100;
	[sflag:s22] =	ssyncadd.s32 $0xFFFFC000  }
0x85: {  	[tilespmem:s16], [sflag:$0x1] =	stream.indirect.gather [hbm4b:s4+s19], $0x80, s28, s19, $0xb8;
	[tilespmem:$0x1E800] =	vst v63  }
0x86: {  	_ =	swait.ge [sflag:s23], $0x4000  }
0x87: {  	[sflag:s23] =	ssyncset.done $0x0  }
0x88: {  	s28 =	simm.s32 $0x1480;
	[sflag:s23] =	ssyncadd.s32 $0xFFFFC000  }
0x89: {  	[spmem:s1] =	stream.indirect.scatter.add.f32 [tilespmem:s20], [sflag:$0x4], $0x80, s28, s19, $0xb8;
	[tilespmem:$0x1E800] =	vst v63  }
0x8a: {  	_ =	swait.ge [sflag:s24], $0x4000  }
0x8b: {  	[sflag:s24] =	ssyncset.done $0x0  }
0x8c: {  	s29 =	simm.s32 $0x180;
	s28 =	simm.s32 $0x400;
	[sflag:s24] =	ssyncadd.s32 $0xFFFFC000  }
.LBB2_6:
0x8d: {  	[tilespmem:s20], [sflag:$0x2] =	stream.indirect.gather [hbm4b:s4+s19], $0x80, s29, s19, $0xb8;
	[tilespmem:$0x1E800] =	vst v63  }
0x8e: {  	s29 =	smov.u32 s28  }
0x8f: {  	p0 =	sne.s32 s28, $0x4800;
	s28 =	sadd.s32 $0x400, s28;
	_ =	swait.ge [sflag:s21], $0x4000  }
0x90: {  	s29 =	sshra.s32 s29, $0x2;
	[sflag:s21] =	ssyncset.done $0x0  }
0x91: {  	s30 =	sadd.s32 $0x1400, s29;
	[sflag:s21] =	ssyncadd.s32 $0xFFFFC000  }
0x92: {  	[spmem:s1] =	stream.indirect.scatter.add.f32 [tilespmem:s16], [sflag:$0x3], $0x80, s30, s19, $0xb8;
	[tilespmem:$0x1E800] =	vst v63  }
0x93: {  	_ =	swait.ge [sflag:s22], $0x4000  }
0x94: {  	[sflag:s22] =	ssyncset.done $0x0  }
0x95: {  	s30 =	sadd.s32 $0x100, s29;
	[sflag:s22] =	ssyncadd.s32 $0xFFFFC000  }
0x96: {  	[tilespmem:s16], [sflag:$0x1] =	stream.indirect.gather [hbm4b:s4+s19], $0x80, s30, s19, $0xb8;
	[tilespmem:$0x1E800] =	vst v63  }
0x97: {  	_ =	swait.ge [sflag:s23], $0x4000  }
0x98: {  	[sflag:s23] =	ssyncset.done $0x0  }
.Ltmp2:
0x99: {  	s30 =	sadd.s32 $0x1480, s29;
	[sflag:s23] =	ssyncadd.s32 $0xFFFFC000;
	(pc) =	sbr.rel @p0 .LBB2_6-.Ltmp2, $4  }
0x9a: {  	[spmem:s1] =	stream.indirect.scatter.add.f32 [tilespmem:s20], [sflag:$0x4], $0x80, s30, s19, $0xb8;
	[tilespmem:$0x1E800] =	vst v63  }
0x9b: {  	_ =	swait.ge [sflag:s24], $0x4000  }
0x9c: {  	[sflag:s24] =	ssyncset.done $0x0  }
0x9d: {  	s29 =	sadd.s32 $0x180, s29;
	[sflag:s24] =	ssyncadd.s32 $0xFFFFC000  }
0x9e: {  	[tilespmem:s20], [sflag:$0x2] =	stream.indirect.gather [hbm4b:s4+s19], $0x80, s29, s19, $0xb8;
	[tilespmem:$0x1E800] =	vst v63  }
0x9f: {  	_ =	swait.ge [sflag:s21], $0x4000  }
0xa0: {  	[sflag:s21] =	ssyncset.done $0x0  }
0xa1: {  	[sflag:s21] =	ssyncadd.s32 $0xFFFFC000  }
0xa2: {  	[spmem:s1] =	stream.indirect.scatter.add.f32 [tilespmem:s16], [sflag:$0x3], $0x80, s25, s19, $0xb8;
	[tilespmem:$0x1E800] =	vst v63  }
0xa3: {  	_ =	swait.ge [sflag:s23], $0x4000  }
0xa4: {  	[sflag:s23] =	ssyncset.done $0x0  }
0xa5: {  	[sflag:s23] =	ssyncadd.s32 $0xFFFFC000  }
0xa6: {  	[spmem:s1] =	stream.indirect.scatter.add.f32 [tilespmem:s20], [sflag:$0x4], $0x80, s26, s19, $0xb8;
	[tilespmem:$0x1E800] =	vst v63  }
0xa7: {  	_ =	swait.ge [sflag:s22], $0x4000  }
0xa8: {  	[sflag:s22] =	ssyncset.done $0x0  }
0xa9: {  	[sflag:s22] =	ssyncadd.s32 $0xFFFFC000  }
0xaa: {  	_ =	swait.ge [sflag:s24], $0x4000  }
0xab: {  	s28 =	sshll.u32 s2, $0x6;
	s3 =	sadd.s32 $0x1, s3;
	[sflag:s24] =	ssyncset.done $0x0  }
0xac: {  	s31 =	sshrl.u32 s5, $0x3;
	p0 =	sne.s32 s3, s11;
	[sflag:s24] =	ssyncadd.s32 $0xFFFFC000  }
.Ltmp3:
0xad: {  	s28 =	sor.u32 $0x1C05, s28;
	[bflag:$0x0] =	sbarrier.arrive $0xFFFF;
	(pc) =	sbr.rel @p0 .LBB2_1-.Ltmp3, $4  }
0xae: {  	[hbm:s10], [sflag:s28] =	dma.local [spmem:s31], $0x2800  }
0xaf: {  	_ =	swait.ge [sflag:s17], $0x2800  }
0xb0: {  	[sflag:s17] =	ssyncset.done $0x0  }
0xb1: {  	[sflag:s17] =	ssyncadd.s32 $0xFFFFD800  }
0xb2: {  	_ =	sfence.sel $0x180000  }
0xb3: {  	[bflag:$0x0] =	sbarrier.arrive $0xFFFF  }
0xb4: {  	p0 =	sne.s32 s2, $0x0;
	_ =	strace $0x9000004A  }
0xb5: {  	s0 =	sadd.s32 @!p0 $0x100000, s0;
	[bflag:$0x2] =	sbarrier.arrive $0xFFFF  }
0xb6: {  	[sflag:s0] =	ssyncadd.tile.s32 @!p0 $0x1;
	_ =	shalt  }
.Lfunc_end2:
_tile_overlayer_lowered:
.L_overlay_start_2:
0xb7: {  	(tag) =	ssettag $0x2  }
0xb8: {  	s0 =	rddreg [dreg:$0x0];
	s2 =	stileid.u32  }
0xb9: {  	s1 =	rddreg [dreg:$0x1];
	p0 =	sne.s32 s2, $0x0  }
0xba: {  	s3 =	rddreg [dreg:$0x2];
	[bflag:$0x3] =	sbarrier.arrive $0xFFFF;
	s2 =	simm.s32 @!p0 $0x1C05  }
0xbb: {  	[timem:s3], [sflag:s2] =	dma.local @!p0 [hbm:s0], s1  }
0xbc: {  	s0 =	simm.s32 @!p0 $0x5  }
0xbd: {  	_ =	swait.ge @!p0 [sflag:s0], s1  }
0xbe: {  	s1 =	ssub.s32 @!p0 $0x0, s1;
	[sflag:s0] =	ssyncset.done @!p0 $0x0  }
0xbf: {  	[sflag:s0] =	ssyncadd.s32 @!p0 s1  }
0xc0: {  	[bflag:$0x3] =	sbarrier.arrive $0xFFFF  }
0xc1: {  	_ =	shalt  }

// kernel: kernel.15.cloned.1.call-start
scs
__scs_entry_jumppad:
0x0: {  	(pc) =	sbr.rel $0x88, $3  }
0x1: {  	(tag) =	ssettag $0x0;
	lr =	simm.s32 $0x1  }
0x2: {  	[smem:$0x3F9B] =	sst lr;
	_ =	strace $0xD0000000  }
0x3: {  	_ = 	snop  }
0x4: {  	_ = 	snop  }
0x5: {  	_ = 	snop  }
0x6: {  	_ = 	snop  }
0x7: {  	_ = 	snop  }
__scs_overlays_trampoline_lowered:
0x8: {  	[smem:$0x3FAA] =	sst s0  }
0x9: {  	[smem:$0x3FAB] =	sst s1  }
0xa: {  	[smem:$0x3FAC] =	sst s2  }
0xb: {  	[smem:$0x3FAD] =	sst s3  }
0xc: {  	[smem:$0x3FAE] =	sst s4  }
0xd: {  	[smem:$0x3FAF] =	sst s5  }
0xe: {  	[smem:$0x3FB0] =	sst s6  }
0xf: {  	[smem:$0x3FB1] =	sst s7  }
0x10: {  	[smem:$0x3FB2] =	sst s8  }
0x11: {  	[smem:$0x3FB3] =	sst s9;
	s0 =	simm.s32 @!p0 $0x0  }
0x12: {  	s1 =	sld [smem:$0x3F99];
	s0 =	simm.s32 @p0 $0x1  }
0x13: {  	[smem:$0x3FB4] =	sst s0;
	s0 =	simm.s32 @!p1 $0x0  }
0x14: {  	s2 =	sld [smem:$0x3F98];
	s0 =	simm.s32 @p1 $0x1  }
0x15: {  	[smem:$0x3FB5] =	sst s0;
	s0 =	simm.s32 @!p2 $0x0  }
0x16: {  	s3 =	sld [smem:$0x3FDB];
	s0 =	simm.s32 @p2 $0x1  }
0x17: {  	s4 =	simm.s32 $0x1BF5;
	[smem:$0x3FB7] =	sst s0  }
0x18: {  	s0 =	sld [smem:$0x3F9A];
	_ =	swait.ge [sflag:s4], $0x0  }
0x19: {  	s7 =	sld [smem:$0x3F9B]  }
0x1a: {  	s8 =	sadd.s32 $0xFFFFE003, lr  }
0x1b: {  	s9 =	sadd.s32 $0xFFFFFEF7, lr;
	s5 =	simm.s32 $0xFFFFFFFF;
	p2 =	slt.u32 s8, $0xFFFFF086  }
0x1c: {  	p1 =	slt.u32 s9, $0xF7A;
	s5 =	simm.s32 @!p2 $0x0  }
0x1d: {  	s5 =	simm.s32 @p1 $0x1;
	p0 =	seq.s32 s7, s2  }
0x1e: {  	s7 =	smul.u32 @!p0 $0xF7A, s2;
	p2 =	seq.s32 @!p0 s5, $0x0  }
0x1f: {  	s9 =	smul.u32 $0xF7A, s1;
	s8 =	simm.s32 @!p0 $0x1BF5;
	p2 =	por !p2, p0  }
0x20: {  	[sflag:s8] =	ssyncset.s32 @!p0 $0xFFFFF086;
	s6 =	sadd.s32 @!p0 s3, s7;
	s7 =	simm.s32 @!p0 $0x108  }
0x21: {  	s3 =	sadd.s32 s3, s9;
	s6 =	sadd.s32 @!p0 $0x88, s6;
	s7 =	simm.s32 @p2 $0x1082  }
0x22: {  	[simem:s7], [sflag:s8] =	dma.local @!p0 [hbm:s6], $0xF7A  }
0x23: {  	s9 =	sor.u32 $0xD0000000, s2;
	s6 =	simm.s32 $0x108;
	_ =	swait.ge @!p0 [sflag:s8], $0x0  }
0x24: {  	s3 =	sadd.s32 $0x88, s3;
	s6 =	simm.s32 @!p1 $0x1082;
	[sflag:s4] =	ssyncset.s32 $0xFFFFF086  }
0x25: {  	[simem:s6], [sflag:s4] =	dma.local [hbm:s3], $0xF7A  }
0x26: {  	[smem:$0x3F9B] =	sst s1;
	(tag) =	ssettag s2;
	_ =	strace s9  }
0x27: {  	s1 =	sld [smem:$0x3FAB]  }
0x28: {  	s2 =	sld [smem:$0x3FAC]  }
0x29: {  	s4 =	sld [smem:$0x3FAE]  }
0x2a: {  	p0 =	seq.s32 s5, $0x0;
	s5 =	sld [smem:$0x3FAF]  }
0x2b: {  	s6 =	sld [smem:$0x3FB0]  }
0x2c: {  	s7 =	sld [smem:$0x3FB1]  }
0x2d: {  	s3 =	simm.s32 $0x108;
	s8 =	sld [smem:$0x3FB2]  }
0x2e: {  	s3 =	simm.s32 @!p0 $0x1082;
	s9 =	sld [smem:$0x3FB3]  }
0x2f: {  	lr =	sadd.s32 s0, s3;
	s0 =	sld [smem:$0x3FAA]  }
0x30: {  	s3 =	sld [smem:$0x3FAD]  }
0x31: {  	[smem:$0x3FB6] =	sst s10  }
0x32: {  	s10 =	sld [smem:$0x3FB4];
	_ =	sdelay $0x3  }
0x33: {  	p0 =	seq.s32 s10, $0x1;
	s10 =	sld [smem:$0x3FB6];
	_ =	sdelay $0x3  }
0x34: {  	[smem:$0x3FB6] =	sst s10  }
0x35: {  	s10 =	sld [smem:$0x3FB5];
	_ =	sdelay $0x3  }
0x36: {  	p1 =	seq.s32 s10, $0x1;
	s10 =	sld [smem:$0x3FB6];
	_ =	sdelay $0x3  }
0x37: {  	[smem:$0x3FB6] =	sst s10  }
0x38: {  	s10 =	sld [smem:$0x3FB7]  }
0x39: {  	_ = 	snop;
	(pc) =	sbr.ind lr, $3  }
0x3a: {  	_ = 	snop  }
0x3b: {  	_ = 	snop  }
0x3c: {  	p2 =	seq.s32 s10, $0x1;
	s10 =	sld [smem:$0x3FB6]  }
0x3d: {  	_ =	shalt  }
0x3e: {  	_ =	shalt  }
0x3f: {  	_ =	shalt  }
0x40: {  	_ =	shalt  }
0x41: {  	_ =	shalt  }
0x42: {  	_ =	shalt  }
0x43: {  	_ =	shalt  }
0x44: {  	_ =	shalt  }
0x45: {  	_ =	shalt  }
0x46: {  	_ =	shalt  }
0x47: {  	_ =	shalt  }
0x48: {  	_ =	shalt  }
0x49: {  	_ =	shalt  }
0x4a: {  	_ =	shalt  }
0x4b: {  	_ =	shalt  }
0x4c: {  	_ =	shalt  }
0x4d: {  	_ =	shalt  }
0x4e: {  	_ =	shalt  }
0x4f: {  	_ =	shalt  }
0x50: {  	_ =	shalt  }
0x51: {  	_ =	shalt  }
0x52: {  	_ =	shalt  }
0x53: {  	_ =	shalt  }
0x54: {  	_ =	shalt  }
0x55: {  	_ =	shalt  }
0x56: {  	_ =	shalt  }
0x57: {  	_ =	shalt  }
0x58: {  	_ =	shalt  }
0x59: {  	_ =	shalt  }
0x5a: {  	_ =	shalt  }
0x5b: {  	_ =	shalt  }
0x5c: {  	_ =	shalt  }
0x5d: {  	_ =	shalt  }
0x5e: {  	_ =	shalt  }
0x5f: {  	_ =	shalt  }
0x60: {  	_ =	shalt  }
0x61: {  	_ =	shalt  }
0x62: {  	_ =	shalt  }
0x63: {  	_ =	shalt  }
0x64: {  	_ =	shalt  }
0x65: {  	_ =	shalt  }
0x66: {  	_ =	shalt  }
0x67: {  	_ =	shalt  }
0x68: {  	_ =	shalt  }
0x69: {  	_ =	shalt  }
0x6a: {  	_ =	shalt  }
0x6b: {  	_ =	shalt  }
0x6c: {  	_ =	shalt  }
0x6d: {  	_ =	shalt  }
0x6e: {  	_ =	shalt  }
0x6f: {  	_ =	shalt  }
0x70: {  	_ =	shalt  }
0x71: {  	_ =	shalt  }
0x72: {  	_ =	shalt  }
0x73: {  	_ =	shalt  }
0x74: {  	_ =	shalt  }
0x75: {  	_ =	shalt  }
0x76: {  	_ =	shalt  }
0x77: {  	_ =	shalt  }
0x78: {  	_ =	shalt  }
0x79: {  	_ =	shalt  }
0x7a: {  	_ =	shalt  }
0x7b: {  	_ =	shalt  }
0x7c: {  	_ =	shalt  }
0x7d: {  	_ =	shalt  }
0x7e: {  	_ =	shalt  }
0x7f: {  	_ =	shalt  }
0x80: {  	_ =	shalt  }
0x81: {  	_ =	shalt  }
0x82: {  	_ =	shalt  }
0x83: {  	_ =	shalt  }
0x84: {  	_ =	shalt  }
0x85: {  	_ =	shalt  }
0x86: {  	_ =	shalt  }
0x87: {  	_ =	shalt  }
.Lfunc_end0:
.L_simem_size_0:
called_computation.2_lowered:
.L_overlay_start_0:
0x88: {  	s2 =	sld [smem:$0x3FD9]  }
0x89: {  	s3 =	sld [smem:$0x3FFE];
	_ =	sdelay $0x1  }
0x8a: {  	s1 =	srdreg.scid  }
0x8b: {  	s0 =	sand.u32 $0x1, s1  }
0x8c: {  	s17 =	sshll.u32 s0, $0xA;
	s2 =	sadd.s32 s3, s2  }
0x8d: {  	s2 =	sadd.s32 s2, s17  }
0x8e: {  	[smem:$0x3FC2] =	sst s2  }
0x8f: {  	_ = 	snop  }
0x90: {  	s2 =	sld [smem:$0x3FD0];
	(tm) =	ssettm $0x1  }
0x91: {  	s18 =	sld [smem:$0x3FFB];
	_ =	sdelay $0x3  }
0x92: {  	_ =	strace s18  }
0x93: {  	s3 =	sld [smem:$0x3FFC];
	_ =	sdelay $0x3  }
0x94: {  	_ =	strace s3  }
0x95: {  	s3 =	sld [smem:$0x3FFD];
	_ =	sdelay $0x3  }
0x96: {  	_ =	strace s3  }
0x97: {  	_ =	strace $0x8FFFFFFF  }
0x98: {  	s19 =	sld [smem:$0x3FDB];
	_ =	sdelay $0x1  }
0x99: {  	s4 =	simm.s32 $_scs_section_size  }
0x9a: {  	s5 =	simm.s32 $_size__tile_overlayer_lowered;
	s6 =	simm.s32 $_tile_overlayer_lowered  }
0x9b: {  	s22 =	simm.s32 $0x1BFF;
	s21 =	sshll.u32 s6, $0x1;
	s3 =	sadd.s32 s4, s19  }
0x9c: {  	s7 =	simm.s32 $0x0;
	s20 =	sshll.u32 s5, $0x1;
	s5 =	sadd.s32 s21, s3  }
0x9d: {  	[timem:s7], [sflag:s22] =	dma.local [hbm:s5], s20  }
0x9e: {  	_ =	swait.ge [sflag:s22], s20  }
0x9f: {  	s4 =	ssub.s32 $0x0, s20;
	[sflag:s22] =	ssyncset.done $0x0  }
0xa0: {  	[sflag:s22] =	ssyncadd.s32 s4;
	_ =	sdelay $0x1  }
0xa1: {  	s23 =	simm.s32 $0x1B8B  }
0xa2: {  	_ =	swait.ge [sflag:s23], $0x1  }
0xa3: {  	[sflag:s23] =	ssyncset.done $0x0  }
0xa4: {  	s25 =	simm.s32 $0x1B8E;
	s24 =	sld [smem:$0x3FFE];
	[sflag:s23] =	ssyncadd.s32 $0xFFFFFFFF  }
0xa5: {  	s26 =	simm.s32 $execute0_lowered;
	[smem:$0x3FD2] =	sst s25  }
0xa6: {  	s5 =	sshll.u32 s26, $0x1;
	_ =	strace $0x8000004C;
	[dreg:$0x1] =	wrdreg $0xFFFFFFFF  }
0xa7: {  	s28 =	simm.s32 $_size_execute0_lowered;
	s3 =	sadd.s32 s3, s5;
	[dreg:$0x0] =	wrdreg $0x0  }
0xa8: {  	s5 =	sshll.u32 s28, $0x1;
	[dreg:$0x2] =	wrdreg s3  }
0xa9: {  	[dreg:$0x3] =	wrdreg s5  }
0xaa: {  	[dreg:$0x4] =	wrdreg $0xC0  }
0xab: {  	_ =	task [dreg:s7], $0x5FFFF  }
0xac: {  	[dreg:$0x1] =	wrdreg $0xFFFFFFFF  }
0xad: {  	[dreg:$0x0] =	wrdreg $0x60  }
0xae: {  	[dreg:$0x2] =	wrdreg s2  }
0xaf: {  	[dreg:$0x3] =	wrdreg s24  }
0xb0: {  	[dreg:$0x4] =	wrdreg $0xA8000  }
0xb1: {  	[dreg:$0x5] =	wrdreg $0x9  }
0xb2: {  	_ =	task.clear_ibuf [dreg:s7], $0x6FFFF;
	_ =	strace $0x9000004C  }
0xb3: {  	s29 =	simm.s32 $0x9;
	_ =	strace $0x8000004E  }
0xb4: {  	_ =	swait.ge [sflag:s29], $0x1  }
0xb5: {  	[sflag:s29] =	ssyncadd.s32 $0xFFFFFFFF  }
0xb6: {  	_ =	strace $0x9000004E  }
0xb7: {  	_ =	sfence  }
0xb8: {  	s30 =	sld [smem:$0x0];
	_ =	sdelay $0x2  }
0xb9: {  	s31 =	sshll.u32 s1, $0xD;
	s1 =	sshrl.u32 s1, $0x2  }
0xba: {  	s3 =	sand.u32 $0x4000, s31;
	s1 =	sadd.s32 s1, s30  }
0xbb: {  	s0 =	sor.u32 s3, s0;
	s1 =	sshll.u32 s1, $0x11  }
0xbc: {  	s0 =	sor.u32 s1, s0  }
0xbd: {  	s0 =	sadd.s32 $0x8F2B, s0  }
0xbe: {  	[sflag:s0] =	ssyncadd.remote.s32 $0x1  }
0xbf: {  	_ =	sfence.sel $0xFFFF  }
0xc0: {  	[dreg:$0x0] =	wrdreg $0xFFFFFFFF;
	(pc) =	sbr.abs _section_cstart, $3  }
0xc1: {  	[dreg:$0x1] =	wrdreg $0xFFFFFFFF  }
0xc2: {  	_ =	task.clear_ibuf [dreg:s7], $0x2FFFF;
	_ =	strace $0x9FFFFFFF  }
0xc3: {  	(tm) =	ssettm $0x7FFFFFFF  }
tec
execute0_lowered:
.L_overlay_start_1:
0x0: {  	(tag) =	ssettag $0x1  }
0x1: {  	s1 =	rddreg [dreg:$0x0]  }
0x2: {  	s5 =	rddreg [dreg:$0x1]  }
0x3: {  	s3 =	rddreg [dreg:$0x2]  }
0x4: {  	s0 =	srdreg.scid;
	s2 =	rddreg [dreg:$0x3];
	s4 =	simm.s32 $0x0  }
0x5: {  	s14 =	simm.s32 $0x2800;
	s15 =	simm.s32 $0x5;
	s16 =	simm.s32 $0x1400  }
0x6: {  	s17 =	simm.s32 $0x80;
	s18 =	simm.s32 $0x6800;
	s6 =	sand.u32 $0x1, s0  }
0x7: {  	s19 =	simm.s32 $0x1;
	s0 =	stileid.u32;
	s7 =	smul.u32 $0x14000, s6  }
0x8: {  	s20 =	simm.s32 $0x3;
	s21 =	simm.s32 $0x2;
	s8 =	smul.u32 $0x1400, s0  }
0x9: {  	s22 =	simm.s32 $0x4;
	s23 =	simm.s32 $0x2700;
	s9 =	smul.u32 $0x140000, s6  }
0xa: {  	s24 =	simm.s32 $0x2780;
	[smem:$0x7FF] =	sst s4;
	s10 =	smul.u32 $0x14000, s0  }
0xb: {  	_ =	strace $0x8000004D;
	s29 =	smul.u32 $0x50000, s0;
	s6 =	ssub.s32 $0x2, s6  }
0xc: {  	s30 =	sshrl.u32 s6, $0x1;
	s7 =	sadd.s32 s8, s7;
	s28 =	sadd.s32 s10, s9  }
0xd: {  	s9 =	sshrl.u32 s29, $0x2;
	s7 =	sshrl.u32 s7, $0x3;
	s8 =	sshrl.u32 s28, $0x3  }
0xe: {  	s31 =	ssub.s32 s6, s30;
	s7 =	sadd.s32 s7, s5;
	s8 =	sadd.s32 s8, s5  }
0xf: {  	s5 =	sadd.s32 s9, s3;
	s9 =	smax.u32 s31, $0x1;
	s6 =	sadd.s32 $0x3800, s7  }
0x10: {  	s7 =	sadd.s32 $0x8800, s7;
	s8 =	sadd.s32 $0x67800, s8;
	s10 =	sadd.s32 $0x4000, s5  }
0x11: {  	v0 =	vimm.f32 $0.0e+00;
	s11 =	sadd.s32 $0x8000, s5;
	s12 =	sadd.s32 $0xC000, s5;
	s13 =	sadd.s32 $0x10000, s5  }
.LBB2_1:
0x12: {  	s25 =	simm.s32 $0x0;
	s26 =	simm.s32 $0x200  }
.LBB2_2:
0x13: {  	p0 =	sne.s32 s26, $0xFE00;
	[tilespmem:s25+$0x2870] =	vst v0  }
0x14: {  	[tilespmem:s25+$0x2800] =	vst v0  }
0x15: {  	[tilespmem:s25+$0x2810] =	vst v0  }
.Ltmp0:
0x16: {  	[tilespmem:s25+$0x2820] =	vst v0;
	(pc) =	sbr.rel @p0 .LBB2_2-.Ltmp0, $4  }
0x17: {  	[tilespmem:s25+$0x2830] =	vst v0  }
0x18: {  	[tilespmem:s25+$0x2840] =	vst v0  }
0x19: {  	[tilespmem:s25+$0x2850] =	vst v0  }
0x1a: {  	[tilespmem:s25+$0x2860] =	vst v0;
	s25 =	sshra.s32 s26, $0x2;
	s26 =	sadd.s32 $0x200, s26  }
0x1b: {  	[tilespmem:s25+$0x2870] =	vst v0  }
0x1c: {  	[tilespmem:s25+$0x2800] =	vst v0  }
0x1d: {  	[tilespmem:s25+$0x2810] =	vst v0  }
0x1e: {  	[tilespmem:s25+$0x2820] =	vst v0  }
0x1f: {  	[tilespmem:s25+$0x2830] =	vst v0  }
0x20: {  	[tilespmem:s25+$0x2840] =	vst v0  }
0x21: {  	[tilespmem:s25+$0x2850] =	vst v0  }
0x22: {  	[tilespmem:s25+$0x2860] =	vst v0  }
0x23: {  	[spmem:s5] =	stream.linear.scatter [tilespmem:s14], [sflag:$0x5], $0x4000, $0x38;
	[tilespmem:$0x1E800] =	vst v63  }
0x24: {  	_ =	swait.ge [sflag:s15], $0x4000  }
0x25: {  	[sflag:s15] =	ssyncset.done $0x0  }
0x26: {  	[sflag:s15] =	ssyncadd.s32 $0xFFFFC000  }
0x27: {  	[spmem:s10] =	stream.linear.scatter [tilespmem:s14], [sflag:$0x5], $0x4000, $0x38;
	[tilespmem:$0x1E800] =	vst v63  }
0x28: {  	_ =	swait.ge [sflag:s15], $0x4000  }
0x29: {  	[sflag:s15] =	ssyncset.done $0x0  }
0x2a: {  	[sflag:s15] =	ssyncadd.s32 $0xFFFFC000  }
0x2b: {  	[spmem:s11] =	stream.linear.scatter [tilespmem:s14], [sflag:$0x5], $0x4000, $0x38;
	[tilespmem:$0x1E800] =	vst v63  }
0x2c: {  	_ =	swait.ge [sflag:s15], $0x4000  }
0x2d: {  	[sflag:s15] =	ssyncset.done $0x0  }
0x2e: {  	[sflag:s15] =	ssyncadd.s32 $0xFFFFC000  }
0x2f: {  	[spmem:s12] =	stream.linear.scatter [tilespmem:s14], [sflag:$0x5], $0x4000, $0x38;
	[tilespmem:$0x1E800] =	vst v63  }
0x30: {  	_ =	swait.ge [sflag:s15], $0x4000  }
0x31: {  	[sflag:s15] =	ssyncset.done $0x0  }
0x32: {  	[sflag:s15] =	ssyncadd.s32 $0xFFFFC000  }
0x33: {  	[spmem:s13] =	stream.linear.scatter [tilespmem:s14], [sflag:$0x5], $0x4000, $0x38;
	[tilespmem:$0x1E800] =	vst v63  }
0x34: {  	_ =	swait.ge [sflag:s15], $0x4000  }
0x35: {  	[sflag:s15] =	ssyncset.done $0x0  }
0x36: {  	[sflag:s15] =	ssyncadd.s32 $0xFFFFC000  }
0x37: {  	s28 =	simm.s32 $0x0;
	[bflag:$0x0] =	sbarrier.arrive $0xFFFF  }
0x38: {  	[tilespmem:s28], [sflag:$0x5] =	stream.linear.gather [hbm4b:s6+s28], $0x1400, $0x38;
	[tilespmem:$0x1E800] =	vst v63  }
0x39: {  	_ =	swait.ge [sflag:s15], $0x1400  }
0x3a: {  	[sflag:s15] =	ssyncset.done $0x0  }
0x3b: {  	[sflag:s15] =	ssyncadd.s32 $0xFFFFEC00  }
0x3c: {  	[tilespmem:s16], [sflag:$0x5] =	stream.linear.gather [hbm4b:s7+s28], $0x1400, $0x38;
	[tilespmem:$0x1E800] =	vst v63  }
0x3d: {  	_ =	swait.ge [sflag:s15], $0x1400  }
0x3e: {  	[sflag:s15] =	ssyncset.done $0x0  }
0x3f: {  	[sflag:s15] =	ssyncadd.s32 $0xFFFFEC00  }
0x40: {  	[tilespmem:s14], [sflag:$0x1] =	stream.indirect.gather [hbm4b:s1+s17], $0x80, s28, s17, $0xb8;
	[tilespmem:$0x1E800] =	vst v63  }
0x41: {  	_ = 	snop  }
0x42: {  	[tilespmem:s18], [sflag:$0x2] =	stream.indirect.gather [hbm4b:s1+s17], $0x80, s17, s17, $0xb8;
	[tilespmem:$0x1E800] =	vst v63  }
0x43: {  	_ =	swait.ge [sflag:s19], $0x4000  }
0x44: {  	[sflag:s19] =	ssyncset.done $0x0  }
0x45: {  	s29 =	simm.s32 $0x1400;
	[sflag:s19] =	ssyncadd.s32 $0xFFFFC000  }
0x46: {  	[spmem:s3] =	stream.indirect.scatter.add.f32 [tilespmem:s14], [sflag:$0x3], $0x80, s29, s17, $0xb8;
	[tilespmem:$0x1E800] =	vst v63  }
0x47: {  	_ =	swait.ge [sflag:s20], $0x4000  }
0x48: {  	[sflag:s20] =	ssyncset.done $0x0  }
0x49: {  	s30 =	simm.s32 $0x100;
	[sflag:s20] =	ssyncadd.s32 $0xFFFFC000  }
0x4a: {  	[tilespmem:s14], [sflag:$0x1] =	stream.indirect.gather [hbm4b:s1+s17], $0x80, s30, s17, $0xb8;
	[tilespmem:$0x1E800] =	vst v63  }
0x4b: {  	_ =	swait.ge [sflag:s21], $0x4000  }
0x4c: {  	[sflag:s21] =	ssyncset.done $0x0  }
0x4d: {  	s31 =	simm.s32 $0x1480;
	[sflag:s21] =	ssyncadd.s32 $0xFFFFC000  }
0x4e: {  	[spmem:s3] =	stream.indirect.scatter.add.f32 [tilespmem:s18], [sflag:$0x4], $0x80, s31, s17, $0xb8;
	[tilespmem:$0x1E800] =	vst v63  }
0x4f: {  	_ =	swait.ge [sflag:s22], $0x4000  }
0x50: {  	[sflag:s22] =	ssyncset.done $0x0  }
0x51: {  	s25 =	simm.s32 $0x400;
	s26 =	simm.s32 $0x180;
	[sflag:s22] =	ssyncadd.s32 $0xFFFFC000  }
.LBB2_4:
0x52: {  	[tilespmem:s18], [sflag:$0x2] =	stream.indirect.gather [hbm4b:s1+s17], $0x80, s26, s17, $0xb8;
	[tilespmem:$0x1E800] =	vst v63  }
0x53: {  	s26 =	smov.u32 s25  }
0x54: {  	p0 =	sne.s32 s25, $0x4800;
	s25 =	sadd.s32 $0x400, s25;
	_ =	swait.ge [sflag:s19], $0x4000  }
0x55: {  	s26 =	sshra.s32 s26, $0x2;
	[sflag:s19] =	ssyncset.done $0x0  }
0x56: {  	s28 =	sadd.s32 $0x1400, s26;
	[sflag:s19] =	ssyncadd.s32 $0xFFFFC000  }
0x57: {  	[spmem:s3] =	stream.indirect.scatter.add.f32 [tilespmem:s14], [sflag:$0x3], $0x80, s28, s17, $0xb8;
	[tilespmem:$0x1E800] =	vst v63  }
0x58: {  	_ =	swait.ge [sflag:s20], $0x4000  }
0x59: {  	[sflag:s20] =	ssyncset.done $0x0  }
0x5a: {  	s28 =	sadd.s32 $0x100, s26;
	[sflag:s20] =	ssyncadd.s32 $0xFFFFC000  }
0x5b: {  	[tilespmem:s14], [sflag:$0x1] =	stream.indirect.gather [hbm4b:s1+s17], $0x80, s28, s17, $0xb8;
	[tilespmem:$0x1E800] =	vst v63  }
0x5c: {  	_ =	swait.ge [sflag:s21], $0x4000  }
0x5d: {  	[sflag:s21] =	ssyncset.done $0x0  }
.Ltmp1:
0x5e: {  	s28 =	sadd.s32 $0x1480, s26;
	[sflag:s21] =	ssyncadd.s32 $0xFFFFC000;
	(pc) =	sbr.rel @p0 .LBB2_4-.Ltmp1, $4  }
0x5f: {  	[spmem:s3] =	stream.indirect.scatter.add.f32 [tilespmem:s18], [sflag:$0x4], $0x80, s28, s17, $0xb8;
	[tilespmem:$0x1E800] =	vst v63  }
0x60: {  	_ =	swait.ge [sflag:s22], $0x4000  }
0x61: {  	[sflag:s22] =	ssyncset.done $0x0  }
0x62: {  	s26 =	sadd.s32 $0x180, s26;
	[sflag:s22] =	ssyncadd.s32 $0xFFFFC000  }
0x63: {  	[tilespmem:s18], [sflag:$0x2] =	stream.indirect.gather [hbm4b:s1+s17], $0x80, s26, s17, $0xb8;
	[tilespmem:$0x1E800] =	vst v63  }
0x64: {  	_ =	swait.ge [sflag:s19], $0x4000  }
0x65: {  	[sflag:s19] =	ssyncset.done $0x0  }
0x66: {  	[sflag:s19] =	ssyncadd.s32 $0xFFFFC000  }
0x67: {  	[spmem:s3] =	stream.indirect.scatter.add.f32 [tilespmem:s14], [sflag:$0x3], $0x80, s23, s17, $0xb8;
	[tilespmem:$0x1E800] =	vst v63  }
0x68: {  	_ =	swait.ge [sflag:s21], $0x4000  }
0x69: {  	[sflag:s21] =	ssyncset.done $0x0  }
0x6a: {  	[sflag:s21] =	ssyncadd.s32 $0xFFFFC000  }
0x6b: {  	[spmem:s3] =	stream.indirect.scatter.add.f32 [tilespmem:s18], [sflag:$0x4], $0x80, s24, s17, $0xb8;
	[tilespmem:$0x1E800] =	vst v63  }
0x6c: {  	_ =	swait.ge [sflag:s20], $0x4000  }
0x6d: {  	[sflag:s20] =	ssyncset.done $0x0  }
0x6e: {  	[sflag:s20] =	ssyncadd.s32 $0xFFFFC000  }
0x6f: {  	_ =	swait.ge [sflag:s22], $0x4000  }
0x70: {  	s25 =	sshll.u32 s0, $0x6;
	s4 =	sadd.s32 $0x1, s4;
	[sflag:s22] =	ssyncset.done $0x0  }
0x71: {  	s31 =	sshrl.u32 s5, $0x3;
	p0 =	sne.s32 s4, s9;
	[sflag:s22] =	ssyncadd.s32 $0xFFFFC000  }
.Ltmp2:
0x72: {  	s25 =	sor.u32 $0x1C05, s25;
	[bflag:$0x0] =	sbarrier.arrive $0xFFFF;
	(pc) =	sbr.rel @p0 .LBB2_1-.Ltmp2, $4  }
0x73: {  	[hbm:s8], [sflag:s25] =	dma.local [spmem:s31], $0x2800  }
0x74: {  	_ =	swait.ge [sflag:s15], $0x2800  }
0x75: {  	[sflag:s15] =	ssyncset.done $0x0  }
0x76: {  	[sflag:s15] =	ssyncadd.s32 $0xFFFFD800  }
0x77: {  	_ =	sfence.sel $0x180000  }
0x78: {  	[bflag:$0x0] =	sbarrier.arrive $0xFFFF  }
0x79: {  	p0 =	sne.s32 s0, $0x0;
	_ =	strace $0x9000004D  }
0x7a: {  	s0 =	sadd.s32 @!p0 $0x100000, s2;
	[bflag:$0x2] =	sbarrier.arrive $0xFFFF  }
0x7b: {  	[sflag:s0] =	ssyncadd.tile.s32 @!p0 $0x1;
	_ =	shalt  }
.Lfunc_end2:
_tile_overlayer_lowered:
.L_overlay_start_2:
0x7c: {  	(tag) =	ssettag $0x2  }
0x7d: {  	s0 =	rddreg [dreg:$0x0];
	s2 =	stileid.u32  }
0x7e: {  	s1 =	rddreg [dreg:$0x1];
	p0 =	sne.s32 s2, $0x0  }
0x7f: {  	s3 =	rddreg [dreg:$0x2];
	[bflag:$0x3] =	sbarrier.arrive $0xFFFF;
	s2 =	simm.s32 @!p0 $0x1C05  }
0x80: {  	[timem:s3], [sflag:s2] =	dma.local @!p0 [hbm:s0], s1  }
0x81: {  	s0 =	simm.s32 @!p0 $0x5  }
0x82: {  	_ =	swait.ge @!p0 [sflag:s0], s1  }
0x83: {  	s1 =	ssub.s32 @!p0 $0x0, s1;
	[sflag:s0] =	ssyncset.done @!p0 $0x0  }
0x84: {  	[sflag:s0] =	ssyncadd.s32 @!p0 s1  }
0x85: {  	[bflag:$0x3] =	sbarrier.arrive $0xFFFF  }
0x86: {  	_ =	shalt  }

// kernel: kernel.9.cloned.1.call-start
scs
__scs_entry_jumppad:
0x0: {  	(pc) =	sbr.rel $0x88, $3  }
0x1: {  	(tag) =	ssettag $0x0;
	lr =	simm.s32 $0x1  }
0x2: {  	[smem:$0x3F9B] =	sst lr;
	_ =	strace $0xD0000000  }
0x3: {  	_ = 	snop  }
0x4: {  	_ = 	snop  }
0x5: {  	_ = 	snop  }
0x6: {  	_ = 	snop  }
0x7: {  	_ = 	snop  }
__scs_overlays_trampoline_lowered:
0x8: {  	[smem:$0x3FAA] =	sst s0  }
0x9: {  	[smem:$0x3FAB] =	sst s1  }
0xa: {  	[smem:$0x3FAC] =	sst s2  }
0xb: {  	[smem:$0x3FAD] =	sst s3  }
0xc: {  	[smem:$0x3FAE] =	sst s4  }
0xd: {  	[smem:$0x3FAF] =	sst s5  }
0xe: {  	[smem:$0x3FB0] =	sst s6  }
0xf: {  	[smem:$0x3FB1] =	sst s7  }
0x10: {  	[smem:$0x3FB2] =	sst s8  }
0x11: {  	[smem:$0x3FB3] =	sst s9;
	s0 =	simm.s32 @!p0 $0x0  }
0x12: {  	s1 =	sld [smem:$0x3F99];
	s0 =	simm.s32 @p0 $0x1  }
0x13: {  	[smem:$0x3FB4] =	sst s0;
	s0 =	simm.s32 @!p1 $0x0  }
0x14: {  	s2 =	sld [smem:$0x3F98];
	s0 =	simm.s32 @p1 $0x1  }
0x15: {  	[smem:$0x3FB5] =	sst s0;
	s0 =	simm.s32 @!p2 $0x0  }
0x16: {  	s3 =	sld [smem:$0x3FDB];
	s0 =	simm.s32 @p2 $0x1  }
0x17: {  	s4 =	simm.s32 $0x1BF5;
	[smem:$0x3FB7] =	sst s0  }
0x18: {  	s0 =	sld [smem:$0x3F9A];
	_ =	swait.ge [sflag:s4], $0x0  }
0x19: {  	s7 =	sld [smem:$0x3F9B]  }
0x1a: {  	s8 =	sadd.s32 $0xFFFFE003, lr  }
0x1b: {  	s9 =	sadd.s32 $0xFFFFFEF7, lr;
	s5 =	simm.s32 $0xFFFFFFFF;
	p2 =	slt.u32 s8, $0xFFFFF086  }
0x1c: {  	p1 =	slt.u32 s9, $0xF7A;
	s5 =	simm.s32 @!p2 $0x0  }
0x1d: {  	s5 =	simm.s32 @p1 $0x1;
	p0 =	seq.s32 s7, s2  }
0x1e: {  	s7 =	smul.u32 @!p0 $0xF7A, s2;
	p2 =	seq.s32 @!p0 s5, $0x0  }
0x1f: {  	s9 =	smul.u32 $0xF7A, s1;
	s8 =	simm.s32 @!p0 $0x1BF5;
	p2 =	por !p2, p0  }
0x20: {  	[sflag:s8] =	ssyncset.s32 @!p0 $0xFFFFF086;
	s6 =	sadd.s32 @!p0 s3, s7;
	s7 =	simm.s32 @!p0 $0x108  }
0x21: {  	s3 =	sadd.s32 s3, s9;
	s6 =	sadd.s32 @!p0 $0x88, s6;
	s7 =	simm.s32 @p2 $0x1082  }
0x22: {  	[simem:s7], [sflag:s8] =	dma.local @!p0 [hbm:s6], $0xF7A  }
0x23: {  	s9 =	sor.u32 $0xD0000000, s2;
	s6 =	simm.s32 $0x108;
	_ =	swait.ge @!p0 [sflag:s8], $0x0  }
0x24: {  	s3 =	sadd.s32 $0x88, s3;
	s6 =	simm.s32 @!p1 $0x1082;
	[sflag:s4] =	ssyncset.s32 $0xFFFFF086  }
0x25: {  	[simem:s6], [sflag:s4] =	dma.local [hbm:s3], $0xF7A  }
0x26: {  	[smem:$0x3F9B] =	sst s1;
	(tag) =	ssettag s2;
	_ =	strace s9  }
0x27: {  	s1 =	sld [smem:$0x3FAB]  }
0x28: {  	s2 =	sld [smem:$0x3FAC]  }
0x29: {  	s4 =	sld [smem:$0x3FAE]  }
0x2a: {  	p0 =	seq.s32 s5, $0x0;
	s5 =	sld [smem:$0x3FAF]  }
0x2b: {  	s6 =	sld [smem:$0x3FB0]  }
0x2c: {  	s7 =	sld [smem:$0x3FB1]  }
0x2d: {  	s3 =	simm.s32 $0x108;
	s8 =	sld [smem:$0x3FB2]  }
0x2e: {  	s3 =	simm.s32 @!p0 $0x1082;
	s9 =	sld [smem:$0x3FB3]  }
0x2f: {  	lr =	sadd.s32 s0, s3;
	s0 =	sld [smem:$0x3FAA]  }
0x30: {  	s3 =	sld [smem:$0x3FAD]  }
0x31: {  	[smem:$0x3FB6] =	sst s10  }
0x32: {  	s10 =	sld [smem:$0x3FB4];
	_ =	sdelay $0x3  }
0x33: {  	p0 =	seq.s32 s10, $0x1;
	s10 =	sld [smem:$0x3FB6];
	_ =	sdelay $0x3  }
0x34: {  	[smem:$0x3FB6] =	sst s10  }
0x35: {  	s10 =	sld [smem:$0x3FB5];
	_ =	sdelay $0x3  }
0x36: {  	p1 =	seq.s32 s10, $0x1;
	s10 =	sld [smem:$0x3FB6];
	_ =	sdelay $0x3  }
0x37: {  	[smem:$0x3FB6] =	sst s10  }
0x38: {  	s10 =	sld [smem:$0x3FB7]  }
0x39: {  	_ = 	snop;
	(pc) =	sbr.ind lr, $3  }
0x3a: {  	_ = 	snop  }
0x3b: {  	_ = 	snop  }
0x3c: {  	p2 =	seq.s32 s10, $0x1;
	s10 =	sld [smem:$0x3FB6]  }
0x3d: {  	_ =	shalt  }
0x3e: {  	_ =	shalt  }
0x3f: {  	_ =	shalt  }
0x40: {  	_ =	shalt  }
0x41: {  	_ =	shalt  }
0x42: {  	_ =	shalt  }
0x43: {  	_ =	shalt  }
0x44: {  	_ =	shalt  }
0x45: {  	_ =	shalt  }
0x46: {  	_ =	shalt  }
0x47: {  	_ =	shalt  }
0x48: {  	_ =	shalt  }
0x49: {  	_ =	shalt  }
0x4a: {  	_ =	shalt  }
0x4b: {  	_ =	shalt  }
0x4c: {  	_ =	shalt  }
0x4d: {  	_ =	shalt  }
0x4e: {  	_ =	shalt  }
0x4f: {  	_ =	shalt  }
0x50: {  	_ =	shalt  }
0x51: {  	_ =	shalt  }
0x52: {  	_ =	shalt  }
0x53: {  	_ =	shalt  }
0x54: {  	_ =	shalt  }
0x55: {  	_ =	shalt  }
0x56: {  	_ =	shalt  }
0x57: {  	_ =	shalt  }
0x58: {  	_ =	shalt  }
0x59: {  	_ =	shalt  }
0x5a: {  	_ =	shalt  }
0x5b: {  	_ =	shalt  }
0x5c: {  	_ =	shalt  }
0x5d: {  	_ =	shalt  }
0x5e: {  	_ =	shalt  }
0x5f: {  	_ =	shalt  }
0x60: {  	_ =	shalt  }
0x61: {  	_ =	shalt  }
0x62: {  	_ =	shalt  }
0x63: {  	_ =	shalt  }
0x64: {  	_ =	shalt  }
0x65: {  	_ =	shalt  }
0x66: {  	_ =	shalt  }
0x67: {  	_ =	shalt  }
0x68: {  	_ =	shalt  }
0x69: {  	_ =	shalt  }
0x6a: {  	_ =	shalt  }
0x6b: {  	_ =	shalt  }
0x6c: {  	_ =	shalt  }
0x6d: {  	_ =	shalt  }
0x6e: {  	_ =	shalt  }
0x6f: {  	_ =	shalt  }
0x70: {  	_ =	shalt  }
0x71: {  	_ =	shalt  }
0x72: {  	_ =	shalt  }
0x73: {  	_ =	shalt  }
0x74: {  	_ =	shalt  }
0x75: {  	_ =	shalt  }
0x76: {  	_ =	shalt  }
0x77: {  	_ =	shalt  }
0x78: {  	_ =	shalt  }
0x79: {  	_ =	shalt  }
0x7a: {  	_ =	shalt  }
0x7b: {  	_ =	shalt  }
0x7c: {  	_ =	shalt  }
0x7d: {  	_ =	shalt  }
0x7e: {  	_ =	shalt  }
0x7f: {  	_ =	shalt  }
0x80: {  	_ =	shalt  }
0x81: {  	_ =	shalt  }
0x82: {  	_ =	shalt  }
0x83: {  	_ =	shalt  }
0x84: {  	_ =	shalt  }
0x85: {  	_ =	shalt  }
0x86: {  	_ =	shalt  }
0x87: {  	_ =	shalt  }
.Lfunc_end0:
.L_simem_size_0:
called_computation_lowered:
.L_overlay_start_0:
0x88: {  	s2 =	sld [smem:$0x3FD9]  }
0x89: {  	s3 =	sld [smem:$0x3FFE];
	_ =	sdelay $0x1  }
0x8a: {  	s1 =	srdreg.scid  }
0x8b: {  	s0 =	sand.u32 $0x1, s1  }
0x8c: {  	s16 =	sshll.u32 s0, $0xA;
	s2 =	sadd.s32 s3, s2  }
0x8d: {  	s2 =	sadd.s32 s2, s16  }
0x8e: {  	[smem:$0x3FC2] =	sst s2  }
0x8f: {  	_ = 	snop  }
0x90: {  	(tm) =	ssettm $0x1  }
0x91: {  	s17 =	sld [smem:$0x3FFB];
	_ =	sdelay $0x3  }
0x92: {  	_ =	strace s17  }
0x93: {  	s2 =	sld [smem:$0x3FFC];
	_ =	sdelay $0x3  }
0x94: {  	_ =	strace s2  }
0x95: {  	s2 =	sld [smem:$0x3FFD];
	_ =	sdelay $0x3  }
0x96: {  	_ =	strace s2  }
0x97: {  	_ =	strace $0x8FFFFFFF  }
0x98: {  	s18 =	sld [smem:$0x3FDB];
	_ =	sdelay $0x1  }
0x99: {  	s19 =	simm.s32 $_scs_section_size  }
0x9a: {  	s4 =	simm.s32 $_size__tile_overlayer_lowered;
	s5 =	simm.s32 $_tile_overlayer_lowered  }
0x9b: {  	s22 =	simm.s32 $0x1BFF;
	s21 =	sshll.u32 s5, $0x1;
	s2 =	sadd.s32 s19, s18  }
0x9c: {  	s6 =	simm.s32 $0x0;
	s20 =	sshll.u32 s4, $0x1;
	s4 =	sadd.s32 s21, s2  }
0x9d: {  	[timem:s6], [sflag:s22] =	dma.local [hbm:s4], s20  }
0x9e: {  	_ =	swait.ge [sflag:s22], s20  }
0x9f: {  	s3 =	ssub.s32 $0x0, s20;
	[sflag:s22] =	ssyncset.done $0x0  }
0xa0: {  	[sflag:s22] =	ssyncadd.s32 s3;
	_ =	sdelay $0x1  }
0xa1: {  	s23 =	simm.s32 $0x1B8B  }
0xa2: {  	_ =	swait.ge [sflag:s23], $0x1  }
0xa3: {  	[sflag:s23] =	ssyncset.done $0x0  }
0xa4: {  	s25 =	simm.s32 $0x1B8E;
	s24 =	sld [smem:$0x3FFE];
	[sflag:s23] =	ssyncadd.s32 $0xFFFFFFFF  }
0xa5: {  	s26 =	simm.s32 $execute0_lowered;
	[smem:$0x3FD2] =	sst s25  }
0xa6: {  	s4 =	sshll.u32 s26, $0x1;
	_ =	strace $0x80000046;
	[dreg:$0x1] =	wrdreg $0xFFFFFFFF  }
0xa7: {  	s28 =	simm.s32 $_size_execute0_lowered;
	s2 =	sadd.s32 s2, s4;
	[dreg:$0x0] =	wrdreg $0x0  }
0xa8: {  	s4 =	sshll.u32 s28, $0x1;
	[dreg:$0x2] =	wrdreg s2  }
0xa9: {  	[dreg:$0x3] =	wrdreg s4  }
0xaa: {  	[dreg:$0x4] =	wrdreg $0xC0  }
0xab: {  	_ =	task [dreg:s6], $0x5FFFF  }
0xac: {  	[dreg:$0x1] =	wrdreg $0xFFFFFFFF  }
0xad: {  	[dreg:$0x0] =	wrdreg $0x60  }
0xae: {  	[dreg:$0x2] =	wrdreg s24  }
0xaf: {  	[dreg:$0x3] =	wrdreg $0x68000  }
0xb0: {  	[dreg:$0x4] =	wrdreg $0x9  }
0xb1: {  	_ =	task.clear_ibuf [dreg:s6], $0x5FFFF;
	_ =	strace $0x90000046  }
0xb2: {  	s29 =	simm.s32 $0x9;
	_ =	strace $0x80000048  }
0xb3: {  	_ =	swait.ge [sflag:s29], $0x1  }
0xb4: {  	[sflag:s29] =	ssyncadd.s32 $0xFFFFFFFF  }
0xb5: {  	_ =	strace $0x90000048  }
0xb6: {  	_ =	sfence  }
0xb7: {  	s30 =	sld [smem:$0x0];
	_ =	sdelay $0x2  }
0xb8: {  	s31 =	sshll.u32 s1, $0xD;
	s1 =	sshrl.u32 s1, $0x2  }
0xb9: {  	s3 =	sand.u32 $0x4000, s31;
	s1 =	sadd.s32 s1, s30  }
0xba: {  	s0 =	sor.u32 s3, s0;
	s1 =	sshll.u32 s1, $0x11  }
0xbb: {  	s0 =	sor.u32 s1, s0  }
0xbc: {  	s0 =	sadd.s32 $0x8F2B, s0  }
0xbd: {  	[sflag:s0] =	ssyncadd.remote.s32 $0x1  }
0xbe: {  	_ =	sfence.sel $0xFFFF  }
0xbf: {  	[dreg:$0x0] =	wrdreg $0xFFFFFFFF;
	(pc) =	sbr.abs _section_cstart, $3  }
0xc0: {  	[dreg:$0x1] =	wrdreg $0xFFFFFFFF  }
0xc1: {  	_ =	task.clear_ibuf [dreg:s6], $0x2FFFF;
	_ =	strace $0x9FFFFFFF  }
0xc2: {  	(tm) =	ssettm $0x7FFFFFFF  }
0xc3: {  	_ =	shalt  }
tec
execute0_lowered:
.L_overlay_start_1:
0x0: {  	(tag) =	ssettag $0x1  }
0x1: {  	s4 =	rddreg [dreg:$0x0]  }
0x2: {  	s0 =	srdreg.scid;
	s2 =	rddreg [dreg:$0x1]  }
0x3: {  	s1 =	rddreg [dreg:$0x2];
	s3 =	simm.s32 $0x0;
	s5 =	sand.u32 $0x1, s0  }
0x4: {  	s12 =	simm.s32 $0x2800;
	s0 =	stileid.u32;
	s6 =	smul.u32 $0x28000, s5  }
0x5: {  	s13 =	simm.s32 $0x2;
	s14 =	simm.s32 $0x80;
	s7 =	smul.u32 $0x2800, s0  }
0x6: {  	s15 =	simm.s32 $0x1;
	[smem:$0x7FF] =	sst s3;
	s8 =	smul.u32 $0x140000, s5  }
0x7: {  	s29 =	smul.u32 $0x14000, s0;
	_ =	strace $0x80000047;
	s5 =	ssub.s32 $0x2, s5  }
0x8: {  	s30 =	smul.u32 $0x50000, s0;
	s16 =	sshll.u32 s0, $0x6;
	s9 =	sshrl.u32 s5, $0x1  }
0x9: {  	s16 =	sor.u32 $0x1C02, s16;
	s6 =	sadd.s32 s7, s6;
	s7 =	sadd.s32 s29, s8  }
0xa: {  	s9 =	ssub.s32 s5, s9;
	s6 =	sshrl.u32 s6, $0x3;
	s7 =	sshrl.u32 s7, $0x3  }
0xb: {  	s31 =	sshrl.u32 s30, $0x2;
	s6 =	sadd.s32 s6, s4;
	s7 =	sadd.s32 s7, s4  }
0xc: {  	s4 =	sadd.s32 s31, s2;
	s5 =	sadd.s32 $0x3800, s6;
	s6 =	sadd.s32 $0x17800, s7  }
0xd: {  	s7 =	smax.u32 s9, $0x1;
	s8 =	sadd.s32 $0x4000, s4;
	s9 =	sadd.s32 $0x8000, s4  }
0xe: {  	v0 =	vimm.f32 $0.0e+00;
	v1 =	vimm.f32 $1.000000000e+00;
	s10 =	sadd.s32 $0xC000, s4;
	s11 =	sadd.s32 $0x10000, s4;
	s17 =	sshrl.u32 s4, $0x3  }
.LBB2_1:
0xf: {  	s18 =	simm.s32 $0x0;
	s19 =	simm.s32 $0x200  }
.LBB2_2:
0x10: {  	p0 =	sne.s32 s19, $0xFE00;
	[tilespmem:s18+$0x2870] =	vst v0  }
0x11: {  	[tilespmem:s18+$0x2800] =	vst v0  }
0x12: {  	[tilespmem:s18+$0x2810] =	vst v0  }
.Ltmp0:
0x13: {  	[tilespmem:s18+$0x2820] =	vst v0;
	(pc) =	sbr.rel @p0 .LBB2_2-.Ltmp0, $4  }
0x14: {  	[tilespmem:s18+$0x2830] =	vst v0  }
0x15: {  	[tilespmem:s18+$0x2840] =	vst v0  }
0x16: {  	[tilespmem:s18+$0x2850] =	vst v0  }
0x17: {  	[tilespmem:s18+$0x2860] =	vst v0;
	s18 =	sshra.s32 s19, $0x2;
	s19 =	sadd.s32 $0x200, s19  }
0x18: {  	[tilespmem:s18+$0x2870] =	vst v0  }
0x19: {  	[tilespmem:s18+$0x2800] =	vst v0  }
0x1a: {  	[tilespmem:s18+$0x2810] =	vst v0  }
0x1b: {  	[tilespmem:s18+$0x2820] =	vst v0  }
0x1c: {  	[tilespmem:s18+$0x2830] =	vst v0  }
0x1d: {  	[tilespmem:s18+$0x2840] =	vst v0  }
0x1e: {  	[tilespmem:s18+$0x2850] =	vst v0  }
0x1f: {  	[tilespmem:s18+$0x2860] =	vst v0  }
0x20: {  	[spmem:s4] =	stream.linear.scatter [tilespmem:s12], [sflag:$0x2], $0x4000, $0x38;
	[tilespmem:$0x1A800] =	vst v63  }
0x21: {  	_ =	swait.ge [sflag:s13], $0x4000  }
0x22: {  	[sflag:s13] =	ssyncset.done $0x0  }
0x23: {  	[sflag:s13] =	ssyncadd.s32 $0xFFFFC000  }
0x24: {  	[spmem:s8] =	stream.linear.scatter [tilespmem:s12], [sflag:$0x2], $0x4000, $0x38;
	[tilespmem:$0x1A800] =	vst v63  }
0x25: {  	_ =	swait.ge [sflag:s13], $0x4000  }
0x26: {  	[sflag:s13] =	ssyncset.done $0x0  }
0x27: {  	[sflag:s13] =	ssyncadd.s32 $0xFFFFC000  }
0x28: {  	[spmem:s9] =	stream.linear.scatter [tilespmem:s12], [sflag:$0x2], $0x4000, $0x38;
	[tilespmem:$0x1A800] =	vst v63  }
0x29: {  	_ =	swait.ge [sflag:s13], $0x4000  }
0x2a: {  	[sflag:s13] =	ssyncset.done $0x0  }
0x2b: {  	[sflag:s13] =	ssyncadd.s32 $0xFFFFC000  }
0x2c: {  	[spmem:s10] =	stream.linear.scatter [tilespmem:s12], [sflag:$0x2], $0x4000, $0x38;
	[tilespmem:$0x1A800] =	vst v63  }
0x2d: {  	_ =	swait.ge [sflag:s13], $0x4000  }
0x2e: {  	[sflag:s13] =	ssyncset.done $0x0  }
0x2f: {  	[sflag:s13] =	ssyncadd.s32 $0xFFFFC000  }
0x30: {  	[spmem:s11] =	stream.linear.scatter [tilespmem:s12], [sflag:$0x2], $0x4000, $0x38;
	[tilespmem:$0x1A800] =	vst v63  }
0x31: {  	_ =	swait.ge [sflag:s13], $0x4000  }
0x32: {  	[sflag:s13] =	ssyncset.done $0x0  }
0x33: {  	[sflag:s13] =	ssyncadd.s32 $0xFFFFC000  }
0x34: {  	s18 =	simm.s32 $0x0;
	s19 =	simm.s32 $0x200;
	[bflag:$0x0] =	sbarrier.arrive $0xFFFF  }
.LBB2_4:
0x35: {  	p0 =	sne.s32 s19, $0xFE00;
	[tilespmem:s18+$0x2870] =	vst v1  }
0x36: {  	[tilespmem:s18+$0x2800] =	vst v1  }
0x37: {  	[tilespmem:s18+$0x2810] =	vst v1  }
.Ltmp1:
0x38: {  	[tilespmem:s18+$0x2820] =	vst v1;
	(pc) =	sbr.rel @p0 .LBB2_4-.Ltmp1, $4  }
0x39: {  	[tilespmem:s18+$0x2830] =	vst v1  }
0x3a: {  	[tilespmem:s18+$0x2840] =	vst v1  }
0x3b: {  	[tilespmem:s18+$0x2850] =	vst v1  }
0x3c: {  	[tilespmem:s18+$0x2860] =	vst v1;
	s18 =	sshra.s32 s19, $0x2;
	s19 =	sadd.s32 $0x200, s19  }
0x3d: {  	[tilespmem:s18+$0x2870] =	vst v1  }
0x3e: {  	[tilespmem:s18+$0x2800] =	vst v1  }
0x3f: {  	[tilespmem:s18+$0x2810] =	vst v1  }
0x40: {  	[tilespmem:s18+$0x2820] =	vst v1  }
0x41: {  	[tilespmem:s18+$0x2830] =	vst v1  }
0x42: {  	[tilespmem:s18+$0x2840] =	vst v1  }
0x43: {  	[tilespmem:s18+$0x2850] =	vst v1  }
0x44: {  	[tilespmem:s18+$0x2860] =	vst v1;
	s18 =	simm.s32 $0x0  }
0x45: {  	[tilespmem:s18], [sflag:$0x2] =	stream.linear.gather [hbm4b:s5+s18], $0x2800, $0x38;
	[tilespmem:$0x1A800] =	vst v63  }
0x46: {  	_ =	swait.ge [sflag:s13], $0x2800  }
0x47: {  	[sflag:s13] =	ssyncset.done $0x0  }
0x48: {  	[sflag:s13] =	ssyncadd.s32 $0xFFFFD800  }
.LBB2_6:
0x49: {  	p0 =	sne.s32 s18, $0x9E00  }
.Ltmp2:
0x4a: {  	_ = 	snop;
	(pc) =	sbr.rel @p0 .LBB2_6-.Ltmp2, $3  }
0x4b: {  	_ =	sdelay $0x1  }
0x4c: {  	s19 =	sshra.s32 s18, $0x2;
	s18 =	sadd.s32 $0x200, s18  }
0x4d: {  	[spmem:s2] =	stream.indirect.scatter.add.f32 [tilespmem:s12], [sflag:$0x1], $0x80, s19, s14, $0xb8;
	[tilespmem:$0x1A800] =	vst v63  }
0x4e: {  	_ =	swait.ge [sflag:s15], $0x4000  }
0x4f: {  	s18 =	simm.s32 $0x4F;
	[sflag:s15] =	ssyncset.done $0x0  }
.LBB2_8:
0x50: {  	p0 =	sne.s32 s18, $0x1;
	s18 =	sadd.s32 $0xFFFFFFFF, s18;
	[sflag:s15] =	ssyncadd.s32 $0xFFFFC000  }
.Ltmp3:
0x51: {  	(pc) =	sbr.rel @p0 .LBB2_8-.Ltmp3, $3  }
0x52: {  	_ =	sdelay $0x1  }
0x53: {  	_ =	swait.ge [sflag:s15], $0x4000  }
0x54: {  	[sflag:s15] =	ssyncset.done $0x0  }
0x55: {  	s3 =	sadd.s32 $0x1, s3  }
0x56: {  	[sflag:s15] =	ssyncadd.s32 $0xFFFFC000;
	p0 =	sne.s32 s3, s7  }
.Ltmp4:
0x57: {  	[bflag:$0x0] =	sbarrier.arrive $0xFFFF;
	(pc) =	sbr.rel @p0 .LBB2_1-.Ltmp4, $4  }
0x58: {  	[hbm:s6], [sflag:s16] =	dma.local [spmem:s17], $0x2800  }
0x59: {  	_ =	swait.ge [sflag:s13], $0x2800  }
0x5a: {  	[sflag:s13] =	ssyncset.done $0x0  }
0x5b: {  	[sflag:s13] =	ssyncadd.s32 $0xFFFFD800  }
0x5c: {  	_ =	sfence.sel $0x180000  }
0x5d: {  	[bflag:$0x0] =	sbarrier.arrive $0xFFFF  }
0x5e: {  	p0 =	sne.s32 s0, $0x0;
	_ =	strace $0x90000047  }
0x5f: {  	s0 =	sadd.s32 @!p0 $0x100000, s1;
	[bflag:$0x2] =	sbarrier.arrive $0xFFFF  }
0x60: {  	[sflag:s0] =	ssyncadd.tile.s32 @!p0 $0x1;
	_ =	shalt  }
.Lfunc_end2:
_tile_overlayer_lowered:
.L_overlay_start_2:
0x61: {  	(tag) =	ssettag $0x2  }
0x62: {  	s0 =	rddreg [dreg:$0x0];
	s2 =	stileid.u32  }
0x63: {  	s1 =	rddreg [dreg:$0x1];
	p0 =	sne.s32 s2, $0x0  }
0x64: {  	s3 =	rddreg [dreg:$0x2];
	[bflag:$0x3] =	sbarrier.arrive $0xFFFF;
	s2 =	simm.s32 @!p0 $0x1C02  }
0x65: {  	[timem:s3], [sflag:s2] =	dma.local @!p0 [hbm:s0], s1  }
0x66: {  	s0 =	simm.s32 @!p0 $0x2  }
0x67: {  	_ =	swait.ge @!p0 [sflag:s0], s1  }
0x68: {  	s1 =	ssub.s32 @!p0 $0x0, s1;
	[sflag:s0] =	ssyncset.done @!p0 $0x0  }
0x69: {  	[sflag:s0] =	ssyncadd.s32 @!p0 s1  }
0x6a: {  	[bflag:$0x3] =	sbarrier.arrive $0xFFFF  }
0x6b: {  	_ =	shalt  }

</sc_bundles>
